<compile_context>
chip_gen: v7x
topology: tpu7x:2x2x1
jax: 0.10.2.dev20260603
libtpu: 0.0.44.dev20260713+nightly
codegen_flags: <defaults>
</compile_context>

<pallas_src>
import jax
import jax.numpy as jnp
from jax.experimental import pallas as pl
from jax.experimental.pallas import tpu as pltpu

_PRE_NMS_THRESH = 0.05
_PRE_NMS_TOP_N = 1000
_NMS_THRESH = 0.5
_POST_TOP_N = 100
_K = 1024


def _score_kernel(cls_ref, conf_ref, out_ref):
    s = jax.nn.sigmoid(cls_ref[0])
    cf = jax.nn.sigmoid(conf_ref[0])
    out_ref[0] = jnp.where(s > _PRE_NMS_THRESH, s * cf, 0.0)


def _decode(r0, r1, r2, r3, c0, c1, l0, l1):
    pw = r0 + r1
    ph = r2 + r3
    cx = l0 + c0
    cy = l1 + c1
    x1 = cx - pw / 2.0
    y1 = cy - ph / 2.0
    x2 = cx + pw / 2.0
    y2 = cy + ph / 2.0
    p1x = x1 + r0
    p1y = y1
    p2x = x2
    p2y = y1 + r2
    p3x = x2 - r0
    p3y = y2
    p4x = x1
    p4y = y2 - r2
    cxm = ((p1x + p2x) + (p3x + p4x)) * 0.25
    cym = ((p1y + p2y) + (p3y + p4y)) * 0.25
    ex = p2x - p1x
    ey = p2y - p1y
    rr = jnp.sqrt(ex * ex + ey * ey)
    pos = rr > 0.0
    rs = jnp.where(pos, rr, 1.0)
    ca = jnp.where(pos, ex / rs, 1.0)
    sa = jnp.where(pos, -ey / rs, 0.0)
    d1x = p1x - cxm
    d1y = p1y - cym
    d2x = p2x - cxm
    d2y = p2y - cym
    d3x = p3x - cxm
    d3y = p3y - cym
    d4x = p4x - cxm
    d4y = p4y - cym
    rx1 = ca * d1x - sa * d1y
    rx2 = ca * d2x - sa * d2y
    rx3 = ca * d3x - sa * d3y
    rx4 = ca * d4x - sa * d4y
    ry1 = sa * d1x + ca * d1y
    ry2 = sa * d2x + ca * d2y
    ry3 = sa * d3x + ca * d3y
    ry4 = sa * d4x + ca * d4y
    wr = jnp.maximum(jnp.maximum(rx1, rx2), jnp.maximum(rx3, rx4)) - \
        jnp.minimum(jnp.minimum(rx1, rx2), jnp.minimum(rx3, rx4))
    hr = jnp.maximum(jnp.maximum(ry1, ry2), jnp.maximum(ry3, ry4)) - \
        jnp.minimum(jnp.minimum(ry1, ry2), jnp.minimum(ry3, ry4))
    caa = jnp.abs(ca)
    saa = jnp.abs(sa)
    exh = (wr * caa + hr * saa) / 2.0
    eyh = (wr * saa + hr * caa) / 2.0
    bx1 = cxm - exh
    by1 = cym - eyh
    bx2 = cxm + exh
    by2 = cym + eyh
    area = jnp.maximum(bx2 - bx1, 0.0) * jnp.maximum(by2 - by1, 0.0)
    return cxm, cym, wr, hr, ex, ey, bx1, by1, bx2, by2, area


def _nms_kernel(data_ref, data_t_ref, vals_ref, vals_t_ref,
                cls_ref, cls_t_ref, out_ref, sup_ref):
    d = data_ref[0]
    dt = data_t_ref[0]
    row = _decode(d[0:1], d[1:2], d[2:3], d[3:4],
                  d[4:5], d[5:6], d[6:7], d[7:8])
    col = _decode(dt[:, 0:1], dt[:, 1:2], dt[:, 2:3], dt[:, 3:4],
                  dt[:, 4:5], dt[:, 5:6], dt[:, 6:7], dt[:, 7:8])
    cxm, cym, wr, hr, ex, ey, bx1r, by1r, bx2r, by2r, arear = row
    _, _, _, _, _, _, bx1c, by1c, bx2c, by2c, areac = col

    vals = vals_ref[0]
    vt = vals_t_ref[0]
    clsr = cls_ref[0]
    clsc = cls_t_ref[0]
    valid_r = vals > 0.0
    valid_c = vt > 0.0

    ix1 = jnp.maximum(bx1c, bx1r)
    iy1 = jnp.maximum(by1c, by1r)
    ix2 = jnp.minimum(bx2c, bx2r)
    iy2 = jnp.minimum(by2c, by2r)
    inter = jnp.maximum(ix2 - ix1, 0.0) * jnp.maximum(iy2 - iy1, 0.0)
    iou = inter / (areac + arear - inter + 1e-9)
    jr = jax.lax.broadcasted_iota(jnp.int32, (1, _K), 1)
    ji = jax.lax.broadcasted_iota(jnp.int32, (_K, 1), 0)
    sup = (iou > _NMS_THRESH) & (clsc == clsr) & (jr > ji) & valid_c
    sup_ref[:, :] = sup.astype(jnp.float32)

    keep0 = valid_r.astype(jnp.float32)

    def body(i, keep):
        srow = sup_ref[pl.ds(i, 1), :]
        live = jnp.max(jnp.where(jr == i, keep, 0.0))
        return keep * (1.0 - srow * live)

    keep = jax.lax.fori_loop(0, _K, body, keep0)

    sc = jnp.sqrt(jnp.maximum(vals, 1e-12)) * valid_r.astype(jnp.float32)
    final = jnp.where(keep > 0.5, sc, -1.0)
    out_ref[0] = jnp.concatenate(
        [cxm, cym, wr, hr, ex, ey, sc, final], axis=0)


def kernel(locations, box_cls, box_regression, center, confs):
    n, c, h, w = box_cls.shape
    hw = h * w
    cls2 = box_cls.reshape(n, c, hw)
    conf2 = confs.reshape(n, 1, hw)
    scores = pl.pallas_call(
        _score_kernel,
        grid=(n,),
        in_specs=[
            pl.BlockSpec((1, c, hw), lambda i: (i, 0, 0)),
            pl.BlockSpec((1, 1, hw), lambda i: (i, 0, 0)),
        ],
        out_specs=pl.BlockSpec((1, c, hw), lambda i: (i, 0, 0)),
        out_shape=jax.ShapeDtypeStruct((n, c, hw), jnp.float32),
    )(cls2, conf2)

    flat = scores.transpose(0, 2, 1).reshape(n, hw * c)
    vals, idx = jax.lax.top_k(flat, _PRE_NMS_TOP_N)
    loc_idx = idx // c
    cls_idx = idx % c

    reg_t = box_regression.reshape(n, 4, hw).transpose(0, 2, 1)
    ctr_t = center.reshape(n, 2, hw).transpose(0, 2, 1)
    g_reg = jnp.take_along_axis(reg_t, loc_idx[:, :, None], axis=1)
    g_ctr = jnp.take_along_axis(ctr_t, loc_idx[:, :, None], axis=1)
    g_loc = locations[loc_idx]
    dat_t = jnp.concatenate([g_reg, g_ctr, g_loc], axis=2)
    pad = _K - _PRE_NMS_TOP_N
    dat_t = jnp.pad(dat_t, ((0, 0), (0, pad), (0, 0)))
    dat = dat_t.transpose(0, 2, 1)
    valsp = jnp.pad(vals, ((0, 0), (0, pad)))
    clsf = jnp.pad(cls_idx.astype(jnp.float32), ((0, 0), (0, pad)))

    out = pl.pallas_call(
        _nms_kernel,
        grid=(n,),
        in_specs=[
            pl.BlockSpec((1, 8, _K), lambda i: (i, 0, 0)),
            pl.BlockSpec((1, _K, 8), lambda i: (i, 0, 0)),
            pl.BlockSpec((1, 1, _K), lambda i: (i, 0, 0)),
            pl.BlockSpec((1, _K, 1), lambda i: (i, 0, 0)),
            pl.BlockSpec((1, 1, _K), lambda i: (i, 0, 0)),
            pl.BlockSpec((1, _K, 1), lambda i: (i, 0, 0)),
        ],
        out_specs=pl.BlockSpec((1, 8, _K), lambda i: (i, 0, 0)),
        out_shape=jax.ShapeDtypeStruct((n, 8, _K), jnp.float32),
        scratch_shapes=[pltpu.VMEM((_K, _K), jnp.float32)],
    )(dat, dat_t, valsp[:, None, :], valsp[:, :, None],
      clsf[:, None, :], clsf[:, :, None])

    cxm = out[:, 0]
    cym = out[:, 1]
    wr = out[:, 2]
    hr = out[:, 3]
    exv = out[:, 4]
    eyv = out[:, 5]
    final = out[:, 7]

    top_sc, top_i = jax.lax.top_k(final, _POST_TOP_N)
    ga = lambda a: jnp.take_along_axis(a, top_i, axis=1)
    angle = jnp.arctan2(ga(eyv), ga(exv))
    boxes = jnp.stack([ga(cxm), ga(cym), ga(wr), ga(hr), angle], axis=2)
    out_scores = jnp.where(top_sc > 0.0, top_sc, 0.0)
    out_arr = jnp.concatenate([boxes, out_scores[:, :, None]], axis=2)
    clsp = jnp.pad(cls_idx, ((0, 0), (0, pad)))
    labels = jnp.where(top_sc > 0.0, ga(clsp), -1)
    return out_arr, labels

# --- scband reference (transcript-rebuilt; emitter-appended) ---
"""Pipeline reference for scband-avodwh-center-in-31499290148938 (READ-ONLY COPY).

The authoritative reference and input builder live on the scoring server;
editing this copy changes nothing except your own understanding.
"""

import jax, jax.numpy as jnp
import numpy as np

PRE_NMS_THRESH = 0.05
PRE_NMS_TOP_N = 1000
NMS_THRESH = 0.5
FPN_POST_NMS_TOP_N = 100
NUM_CLASSES = 15
N_IMG, H, W = 2, 100, 200


def setup_inputs(seed: int = 0) -> dict:
    key = jax.random.key(seed)
    ks = jax.random.split(key, 5)
    HW = H * W
    locations = jax.random.uniform(ks[0], (HW, 2), dtype=jnp.float32)
    box_cls = jax.random.normal(ks[1], (N_IMG, NUM_CLASSES, H, W), dtype=jnp.float32)
    box_regression = jax.random.uniform(ks[2], (N_IMG, 4, H, W), dtype=jnp.float32)
    center = jax.random.normal(ks[3], (N_IMG, 2, H, W), dtype=jnp.float32)
    confs = jax.random.normal(ks[4], (N_IMG, 1, H, W), dtype=jnp.float32)
    return {"locations": locations, "box_cls": box_cls,
            "box_regression": box_regression, "center": center, "confs": confs}


def _poly_to_rotrect(poly):
    # batch_polygonToRotRectangle: 4-corner polygon -> (cx, cy, w, h, angle)
    pts = poly.reshape(-1, 4, 2)
    cx = pts[:, :, 0].mean(axis=1)
    cy = pts[:, :, 1].mean(axis=1)
    edge = pts[:, 1, :] - pts[:, 0, :]
    angle = jnp.arctan2(edge[:, 1], edge[:, 0])
    ca = jnp.cos(-angle)[:, None]
    sa = jnp.sin(-angle)[:, None]
    dx = pts[:, :, 0] - cx[:, None]
    dy = pts[:, :, 1] - cy[:, None]
    rx = ca * dx - sa * dy
    ry = sa * dx + ca * dy
    w = rx.max(axis=1) - rx.min(axis=1)
    h = ry.max(axis=1) - ry.min(axis=1)
    return jnp.stack([cx, cy, w, h, angle], axis=1)


def _process_image(cls_map, reg_map, ctr_map, conf_map, locations):
    C = cls_map.shape[0]
    HW = locations.shape[0]
    # permute(1,2,0).reshape(-1, C) equivalents
    bc = jax.nn.sigmoid(cls_map.reshape(C, HW).T)            # [HW, C]
    regf = reg_map.reshape(4, HW).T                           # [HW, 4]
    ctrf = ctr_map.reshape(2, HW).T                           # [HW, 2]
    conf = jax.nn.sigmoid(conf_map.reshape(HW))               # [HW]
    cand = bc > PRE_NMS_THRESH
    score = bc * conf[:, None]
    flat = jnp.where(cand, score, 0.0).reshape(-1)
    # fixed-shape replacement for boolean select + per-image pre_nms_top_n clamp
    vals, idx = jax.lax.top_k(flat, PRE_NMS_TOP_N)
    loc_idx = idx // C
    cls_idx = idx % C
    valid = vals > 0.0
    reg = regf[loc_idx]
    ctr = ctrf[loc_idx]
    loc = locations[loc_idx]
    pbr_w = reg[:, 0] + reg[:, 1]
    pbr_h = reg[:, 2] + reg[:, 3]
    cx = loc[:, 0] + ctr[:, 0]
    cy = loc[:, 1] + ctr[:, 1]
    x1 = cx - pbr_w / 2.0
    y1 = cy - pbr_h / 2.0
    x2 = cx + pbr_w / 2.0
    y2 = cy + pbr_h / 2.0
    # batch_hbb_hw2poly: horizontal box + (w0, h0) interior offsets -> quad
    w0 = reg[:, 0]
    h0 = reg[:, 2]
    p1 = jnp.stack([x1 + w0, y1], axis=1)
    p2 = jnp.stack([x2, y1 + h0], axis=1)
    p3 = jnp.stack([x2 - w0, y2], axis=1)
    p4 = jnp.stack([x1, y2 - h0], axis=1)
    poly = jnp.concatenate([p1, p2, p3, p4], axis=1)          # [K, 8]
    rot = _poly_to_rotrect(poly)                              # [K, 5]
    sc = jnp.sqrt(jnp.maximum(vals, 1e-12)) * valid.astype(vals.dtype)
    # batched_nms_rotated (greedy, class-aware; rotated boxes approximated by their AABB for IoU)
    rb = jax.lax.stop_gradient(rot)
    a = rb[:, 4]
    caa = jnp.abs(jnp.cos(a))
    saa = jnp.abs(jnp.sin(a))
    ex = (rb[:, 2] * caa + rb[:, 3] * saa) / 2.0
    ey = (rb[:, 2] * saa + rb[:, 3] * caa) / 2.0
    bx1 = rb[:, 0] - ex
    by1 = rb[:, 1] - ey
    bx2 = rb[:, 0] + ex
    by2 = rb[:, 1] + ey
    area = jnp.maximum(bx2 - bx1, 0.0) * jnp.maximum(by2 - by1, 0.0)
    ix1 = jnp.maximum(bx1[:, None], bx1[None, :])
    iy1 = jnp.maximum(by1[:, None], by1[None, :])
    ix2 = jnp.minimum(bx2[:, None], bx2[None, :])
    iy2 = jnp.minimum(by2[:, None], by2[None, :])
    inter = jnp.maximum(ix2 - ix1, 0.0) * jnp.maximum(iy2 - iy1, 0.0)
    iou = inter / (area[:, None] + area[None, :] - inter + 1e-9)
    same_cls = cls_idx[:, None] == cls_idx[None, :]
    sup_mat = (iou > NMS_THRESH) & same_cls
    K = PRE_NMS_TOP_N
    ar = jnp.arange(K)
    def body(i, keep):
        live = keep[i] & valid[i]
        sup = sup_mat[i] & (ar > i) & live
        return keep & (~sup)
    keep = jax.lax.fori_loop(0, K, body, valid)
    # kthvalue-based post-NMS top-k == top_k by score
    final = jnp.where(keep, sc, -1.0)
    top_sc, top_i = jax.lax.top_k(final, FPN_POST_NMS_TOP_N)
    out_boxes = rot[top_i]
    out_scores = jnp.where(top_sc > 0.0, top_sc, 0.0)
    labels = jnp.where(top_sc > 0.0, cls_idx[top_i], -1)
    out = jnp.concatenate([out_boxes, out_scores[:, None]], axis=1)  # [K2, 6]
    return out, labels


def reference(locations, box_cls, box_regression, center, confs):
    out, labels = jax.vmap(_process_image, in_axes=(0, 0, 0, 0, None))(
        box_cls, box_regression, center, confs, locations)
    return out, labels

if __name__ == "__main__":
    import jax
    _d = setup_inputs()
    print(jax.jit(kernel)(*tuple(_d.values())))

</pallas_src>

<mosaic_0001>
module attributes {stable_mosaic.version = 14 : i64} {
  func.func @_score_kernel(%arg0: i32, %arg1: memref<1x15x20000xf32, #tpu.memory_space<vmem>>, %arg2: memref<1x1x20000xf32, #tpu.memory_space<vmem>>, %arg3: memref<1x15x20000xf32, #tpu.memory_space<vmem>>) attributes {dimension_semantics = [#tpu.dimension_semantics<arbitrary>], iteration_bounds = array<i64: 2>, scalar_prefetch = 0 : i64, scratch_operands = 0 : i64, tpu.core_type = #tpu.core_type<tc>, window_params = [{transform_indices = @transform_0, window_bounds = array<i64: 1, 15, 20000>}, {transform_indices = @transform_1, window_bounds = array<i64: 1, 1, 20000>}, {transform_indices = @transform_2, window_bounds = array<i64: 1, 15, 20000>}]} {
    %get3A = arith.constant 0 : index
    %get3A_0 = arith.constant 0 : index
    %get3A_1 = arith.constant 0 : index
    %get3A_2 = vector.load %arg1[%get3A, %get3A_0, %get3A_1] : memref<1x15x20000xf32, #tpu.memory_space<vmem>>, vector<1x15x20000xf32>
    %get3A_3 = vector.shape_cast %get3A_2 : vector<1x15x20000xf32> to vector<15x20000xf32>
    %logistic3A = arith.negf %get3A_3 : vector<15x20000xf32>
    %logistic3A_4 = math.exp %logistic3A : vector<15x20000xf32>
    %logistic3A_5 = arith.constant 1.000000e+00 : f32
    %logistic3A_6 = vector.broadcast %logistic3A_5 : f32 to vector<15x20000xf32>
    %logistic3A_7 = arith.addf %logistic3A_6, %logistic3A_4 : vector<15x20000xf32>
    %logistic3A_8 = arith.divf %logistic3A_6, %logistic3A_7 : vector<15x20000xf32>
    %get3A_9 = arith.constant 0 : index
    %get3A_10 = arith.constant 0 : index
    %get3A_11 = arith.constant 0 : index
    %get3A_12 = vector.load %arg2[%get3A_9, %get3A_10, %get3A_11] : memref<1x1x20000xf32, #tpu.memory_space<vmem>>, vector<1x1x20000xf32>
    %get3A_13 = vector.shape_cast %get3A_12 : vector<1x1x20000xf32> to vector<1x20000xf32>
    %logistic3A_14 = arith.negf %get3A_13 : vector<1x20000xf32>
    %logistic3A_15 = math.exp %logistic3A_14 : vector<1x20000xf32>
    %logistic3A_16 = arith.constant 1.000000e+00 : f32
    %logistic3A_17 = vector.broadcast %logistic3A_16 : f32 to vector<1x20000xf32>
    %logistic3A_18 = arith.addf %logistic3A_17, %logistic3A_15 : vector<1x20000xf32>
    %logistic3A_19 = arith.divf %logistic3A_17, %logistic3A_18 : vector<1x20000xf32>
    %gt3A = arith.constant 5.000000e-02 : f32
    %gt3A_20 = vector.broadcast %gt3A : f32 to vector<15x20000xf32>
    %gt3A_21 = arith.cmpf ogt, %logistic3A_8, %gt3A_20 : vector<15x20000xf32>
    %mul3A = vector.broadcast %logistic3A_19 : vector<1x20000xf32> to vector<15x20000xf32>
    %mul3A_22 = arith.mulf %logistic3A_8, %mul3A : vector<15x20000xf32>
    %jit3A = arith.constant 0.000000e+00 : f32
    %broadcast_in_dim3A = vector.broadcast %jit3A : f32 to vector<15x20000xf32>
    %select_n3A = arith.select %gt3A_21, %mul3A_22, %broadcast_in_dim3A : vector<15x20000xi1>, vector<15x20000xf32>
    %swap3A = arith.constant 0 : index
    %swap3A_23 = arith.constant 0 : index
    %swap3A_24 = arith.constant 0 : index
    %swap3A_25 = vector.load %arg3[%swap3A, %swap3A_23, %swap3A_24] : memref<1x15x20000xf32, #tpu.memory_space<vmem>>, vector<1x15x20000xf32>
    %swap3A_26 = vector.shape_cast %swap3A_25 : vector<1x15x20000xf32> to vector<15x20000xf32>
    %swap3A_27 = vector.shape_cast %select_n3A : vector<15x20000xf32> to vector<1x15x20000xf32>
    tpu.vector_store %arg3[%swap3A, %swap3A_23, %swap3A_24], %swap3A_27 {strides = array<i32>} : memref<1x15x20000xf32, #tpu.memory_space<vmem>>, vector<1x15x20000xf32>,
    return
  }
  func.func @transform_0(%arg0: i32) -> (i32, i32, i32) {
    %c0_i32 = arith.constant 0 : i32
    %c0_i32_0 = arith.constant 0 : i32
    %c0_i32_1 = arith.constant 0 : i32
    return %arg0, %c0_i32, %c0_i32_0 : i32, i32, i32
  }
  func.func @transform_1(%arg0: i32) -> (i32, i32, i32) {
    %c0_i32 = arith.constant 0 : i32
    %c0_i32_0 = arith.constant 0 : i32
    %c0_i32_1 = arith.constant 0 : i32
    return %arg0, %c0_i32, %c0_i32_0 : i32, i32, i32
  }
  func.func @transform_2(%arg0: i32) -> (i32, i32, i32) {
    %c0_i32 = arith.constant 0 : i32
    %c0_i32_0 = arith.constant 0 : i32
    %c0_i32_1 = arith.constant 0 : i32
    return %arg0, %c0_i32, %c0_i32_0 : i32, i32, i32
  }
}

module attributes {stable_mosaic.version = 14 : i64} {
  func.func @_nms_kernel(%arg0: i32, %arg1: memref<1x8x1024xf32, #tpu.memory_space<vmem>>, %arg2: memref<1x1024x8xf32, #tpu.memory_space<vmem>>, %arg3: memref<1x1x1024xf32, #tpu.memory_space<vmem>>, %arg4: memref<1x1024x1xf32, #tpu.memory_space<vmem>>, %arg5: memref<1x1x1024xf32, #tpu.memory_space<vmem>>, %arg6: memref<1x1024x1xf32, #tpu.memory_space<vmem>>, %arg7: memref<1x8x1024xf32, #tpu.memory_space<vmem>>, %arg8: memref<1024x1024xf32, #tpu.memory_space<vmem>>) attributes {dimension_semantics = [#tpu.dimension_semantics<arbitrary>], iteration_bounds = array<i64: 2>, scalar_prefetch = 0 : i64, scratch_operands = 1 : i64, tpu.core_type = #tpu.core_type<tc>, window_params = [{transform_indices = @transform_0, window_bounds = array<i64: 1, 8, 1024>}, {transform_indices = @transform_1, window_bounds = array<i64: 1, 1024, 8>}, {transform_indices = @transform_2, window_bounds = array<i64: 1, 1, 1024>}, {transform_indices = @transform_3, window_bounds = array<i64: 1, 1024, 1>}, {transform_indices = @transform_4, window_bounds = array<i64: 1, 1, 1024>}, {transform_indices = @transform_5, window_bounds = array<i64: 1, 1024, 1>}, {transform_indices = @transform_6, window_bounds = array<i64: 1, 8, 1024>}]} {
    %get3A = arith.constant 0 : index
    %get3A_0 = arith.constant 0 : index
    %get3A_1 = arith.constant 0 : index
    %get3A_2 = vector.load %arg1[%get3A, %get3A_0, %get3A_1] : memref<1x8x1024xf32, #tpu.memory_space<vmem>>, vector<1x8x1024xf32>
    %get3A_3 = vector.shape_cast %get3A_2 : vector<1x8x1024xf32> to vector<8x1024xf32>
    %get3A_4 = arith.constant 0 : index
    %get3A_5 = arith.constant 0 : index
    %get3A_6 = arith.constant 0 : index
    %get3A_7 = vector.load %arg2[%get3A_4, %get3A_5, %get3A_6] : memref<1x1024x8xf32, #tpu.memory_space<vmem>>, vector<1x1024x8xf32>
    %get3A_8 = vector.shape_cast %get3A_7 : vector<1x1024x8xf32> to vector<1024x8xf32>
    %slice3A = vector.extract_strided_slice %get3A_3 {offsets = [0, 0], sizes = [1, 1024], strides = [1, 1]} : vector<8x1024xf32> to vector<1x1024xf32>
    %slice3A_9 = vector.extract_strided_slice %get3A_3 {offsets = [1, 0], sizes = [1, 1024], strides = [1, 1]} : vector<8x1024xf32> to vector<1x1024xf32>
    %slice3A_10 = vector.extract_strided_slice %get3A_3 {offsets = [2, 0], sizes = [1, 1024], strides = [1, 1]} : vector<8x1024xf32> to vector<1x1024xf32>
    %slice3A_11 = vector.extract_strided_slice %get3A_3 {offsets = [3, 0], sizes = [1, 1024], strides = [1, 1]} : vector<8x1024xf32> to vector<1x1024xf32>
    %slice3A_12 = vector.extract_strided_slice %get3A_3 {offsets = [4, 0], sizes = [1, 1024], strides = [1, 1]} : vector<8x1024xf32> to vector<1x1024xf32>
    %slice3A_13 = vector.extract_strided_slice %get3A_3 {offsets = [5, 0], sizes = [1, 1024], strides = [1, 1]} : vector<8x1024xf32> to vector<1x1024xf32>
    %slice3A_14 = vector.extract_strided_slice %get3A_3 {offsets = [6, 0], sizes = [1, 1024], strides = [1, 1]} : vector<8x1024xf32> to vector<1x1024xf32>
    %slice3A_15 = vector.extract_strided_slice %get3A_3 {offsets = [7, 0], sizes = [1, 1024], strides = [1, 1]} : vector<8x1024xf32> to vector<1x1024xf32>
    %add3A = arith.addf %slice3A, %slice3A_9 : vector<1x1024xf32>
    %add3A_16 = arith.addf %slice3A_10, %slice3A_11 : vector<1x1024xf32>
    %add3A_17 = arith.addf %slice3A_14, %slice3A_12 : vector<1x1024xf32>
    %add3A_18 = arith.addf %slice3A_15, %slice3A_13 : vector<1x1024xf32>
    %div3A = arith.constant 2.000000e+00 : f32
    %div3A_19 = vector.broadcast %div3A : f32 to vector<1x1024xf32>
    %div3A_20 = arith.divf %add3A, %div3A_19 : vector<1x1024xf32>
    %sub3A = arith.subf %add3A_17, %div3A_20 : vector<1x1024xf32>
    %div3A_21 = arith.constant 2.000000e+00 : f32
    %div3A_22 = vector.broadcast %div3A_21 : f32 to vector<1x1024xf32>
    %div3A_23 = arith.divf %add3A_16, %div3A_22 : vector<1x1024xf32>
    %sub3A_24 = arith.subf %add3A_18, %div3A_23 : vector<1x1024xf32>
    %div3A_25 = arith.constant 2.000000e+00 : f32
    %div3A_26 = vector.broadcast %div3A_25 : f32 to vector<1x1024xf32>
    %div3A_27 = arith.divf %add3A, %div3A_26 : vector<1x1024xf32>
    %add3A_28 = arith.addf %add3A_17, %div3A_27 : vector<1x1024xf32>
    %div3A_29 = arith.constant 2.000000e+00 : f32
    %div3A_30 = vector.broadcast %div3A_29 : f32 to vector<1x1024xf32>
    %div3A_31 = arith.divf %add3A_16, %div3A_30 : vector<1x1024xf32>
    %add3A_32 = arith.addf %add3A_18, %div3A_31 : vector<1x1024xf32>
    %add3A_33 = arith.addf %sub3A, %slice3A : vector<1x1024xf32>
    %add3A_34 = arith.addf %sub3A_24, %slice3A_10 : vector<1x1024xf32>
    %sub3A_35 = arith.subf %add3A_28, %slice3A : vector<1x1024xf32>
    %sub3A_36 = arith.subf %add3A_32, %slice3A_10 : vector<1x1024xf32>
    %add3A_37 = arith.addf %add3A_33, %add3A_28 : vector<1x1024xf32>
    %add3A_38 = arith.addf %sub3A_35, %sub3A : vector<1x1024xf32>
    %add3A_39 = arith.addf %add3A_37, %add3A_38 : vector<1x1024xf32>
    %mul3A = arith.constant 2.500000e-01 : f32
    %mul3A_40 = vector.broadcast %mul3A : f32 to vector<1x1024xf32>
    %mul3A_41 = arith.mulf %add3A_39, %mul3A_40 : vector<1x1024xf32>
    %add3A_42 = arith.addf %sub3A_24, %add3A_34 : vector<1x1024xf32>
    %add3A_43 = arith.addf %add3A_32, %sub3A_36 : vector<1x1024xf32>
    %add3A_44 = arith.addf %add3A_42, %add3A_43 : vector<1x1024xf32>
    %mul3A_45 = arith.constant 2.500000e-01 : f32
    %mul3A_46 = vector.broadcast %mul3A_45 : f32 to vector<1x1024xf32>
    %mul3A_47 = arith.mulf %add3A_44, %mul3A_46 : vector<1x1024xf32>
    %sub3A_48 = arith.subf %add3A_28, %add3A_33 : vector<1x1024xf32>
    %sub3A_49 = arith.subf %add3A_34, %sub3A_24 : vector<1x1024xf32>
    %mul3A_50 = arith.mulf %sub3A_48, %sub3A_48 : vector<1x1024xf32>
    %mul3A_51 = arith.mulf %sub3A_49, %sub3A_49 : vector<1x1024xf32>
    %add3A_52 = arith.addf %mul3A_50, %mul3A_51 : vector<1x1024xf32>
    %sqrt3A = math.sqrt %add3A_52 : vector<1x1024xf32>
    %gt3A = arith.constant 0.000000e+00 : f32
    %gt3A_53 = vector.broadcast %gt3A : f32 to vector<1x1024xf32>
    %gt3A_54 = arith.cmpf ogt, %sqrt3A, %gt3A_53 : vector<1x1024xf32>
    %jit3A = arith.constant 1.000000e+00 : f32
    %broadcast_in_dim3A = vector.broadcast %jit3A : f32 to vector<1x1024xf32>
    %select_n3A = arith.select %gt3A_54, %sqrt3A, %broadcast_in_dim3A : vector<1x1024xi1>, vector<1x1024xf32>
    %div3A_55 = arith.divf %sub3A_48, %select_n3A : vector<1x1024xf32>
    %jit3A_56 = arith.constant 1.000000e+00 : f32
    %broadcast_in_dim3A_57 = vector.broadcast %jit3A_56 : f32 to vector<1x1024xf32>
    %select_n3A_58 = arith.select %gt3A_54, %div3A_55, %broadcast_in_dim3A_57 : vector<1x1024xi1>, vector<1x1024xf32>
    %neg3A = arith.constant 0.000000e+00 : f32
    %neg3A_59 = vector.broadcast %neg3A : f32 to vector<1x1024xf32>
    %neg3A_60 = arith.subf %neg3A_59, %sub3A_49 : vector<1x1024xf32>
    %div3A_61 = arith.divf %neg3A_60, %select_n3A : vector<1x1024xf32>
    %jit3A_62 = arith.constant 0.000000e+00 : f32
    %broadcast_in_dim3A_63 = vector.broadcast %jit3A_62 : f32 to vector<1x1024xf32>
    %select_n3A_64 = arith.select %gt3A_54, %div3A_61, %broadcast_in_dim3A_63 : vector<1x1024xi1>, vector<1x1024xf32>
    %sub3A_65 = arith.subf %add3A_33, %mul3A_41 : vector<1x1024xf32>
    %sub3A_66 = arith.subf %sub3A_24, %mul3A_47 : vector<1x1024xf32>
    %sub3A_67 = arith.subf %add3A_28, %mul3A_41 : vector<1x1024xf32>
    %sub3A_68 = arith.subf %add3A_34, %mul3A_47 : vector<1x1024xf32>
    %sub3A_69 = arith.subf %sub3A_35, %mul3A_41 : vector<1x1024xf32>
    %sub3A_70 = arith.subf %add3A_32, %mul3A_47 : vector<1x1024xf32>
    %sub3A_71 = arith.subf %sub3A, %mul3A_41 : vector<1x1024xf32>
    %sub3A_72 = arith.subf %sub3A_36, %mul3A_47 : vector<1x1024xf32>
    %mul3A_73 = arith.mulf %select_n3A_58, %sub3A_65 : vector<1x1024xf32>
    %mul3A_74 = arith.mulf %select_n3A_64, %sub3A_66 : vector<1x1024xf32>
    %sub3A_75 = arith.subf %mul3A_73, %mul3A_74 : vector<1x1024xf32>
    %mul3A_76 = arith.mulf %select_n3A_58, %sub3A_67 : vector<1x1024xf32>
    %mul3A_77 = arith.mulf %select_n3A_64, %sub3A_68 : vector<1x1024xf32>
    %sub3A_78 = arith.subf %mul3A_76, %mul3A_77 : vector<1x1024xf32>
    %mul3A_79 = arith.mulf %select_n3A_58, %sub3A_69 : vector<1x1024xf32>
    %mul3A_80 = arith.mulf %select_n3A_64, %sub3A_70 : vector<1x1024xf32>
    %sub3A_81 = arith.subf %mul3A_79, %mul3A_80 : vector<1x1024xf32>
    %mul3A_82 = arith.mulf %select_n3A_58, %sub3A_71 : vector<1x1024xf32>
    %mul3A_83 = arith.mulf %select_n3A_64, %sub3A_72 : vector<1x1024xf32>
    %sub3A_84 = arith.subf %mul3A_82, %mul3A_83 : vector<1x1024xf32>
    %mul3A_85 = arith.mulf %select_n3A_64, %sub3A_65 : vector<1x1024xf32>
    %mul3A_86 = arith.mulf %select_n3A_58, %sub3A_66 : vector<1x1024xf32>
    %add3A_87 = arith.addf %mul3A_85, %mul3A_86 : vector<1x1024xf32>
    %mul3A_88 = arith.mulf %select_n3A_64, %sub3A_67 : vector<1x1024xf32>
    %mul3A_89 = arith.mulf %select_n3A_58, %sub3A_68 : vector<1x1024xf32>
    %add3A_90 = arith.addf %mul3A_88, %mul3A_89 : vector<1x1024xf32>
    %mul3A_91 = arith.mulf %select_n3A_64, %sub3A_69 : vector<1x1024xf32>
    %mul3A_92 = arith.mulf %select_n3A_58, %sub3A_70 : vector<1x1024xf32>
    %add3A_93 = arith.addf %mul3A_91, %mul3A_92 : vector<1x1024xf32>
    %mul3A_94 = arith.mulf %select_n3A_64, %sub3A_71 : vector<1x1024xf32>
    %mul3A_95 = arith.mulf %select_n3A_58, %sub3A_72 : vector<1x1024xf32>
    %add3A_96 = arith.addf %mul3A_94, %mul3A_95 : vector<1x1024xf32>
    %max3A = arith.maximumf %sub3A_75, %sub3A_78 : vector<1x1024xf32>
    %max3A_97 = arith.maximumf %sub3A_81, %sub3A_84 : vector<1x1024xf32>
    %max3A_98 = arith.maximumf %max3A, %max3A_97 : vector<1x1024xf32>
    %min3A = arith.minimumf %sub3A_75, %sub3A_78 : vector<1x1024xf32>
    %min3A_99 = arith.minimumf %sub3A_81, %sub3A_84 : vector<1x1024xf32>
    %min3A_100 = arith.minimumf %min3A, %min3A_99 : vector<1x1024xf32>
    %sub3A_101 = arith.subf %max3A_98, %min3A_100 : vector<1x1024xf32>
    %max3A_102 = arith.maximumf %add3A_87, %add3A_90 : vector<1x1024xf32>
    %max3A_103 = arith.maximumf %add3A_93, %add3A_96 : vector<1x1024xf32>
    %max3A_104 = arith.maximumf %max3A_102, %max3A_103 : vector<1x1024xf32>
    %min3A_105 = arith.minimumf %add3A_87, %add3A_90 : vector<1x1024xf32>
    %min3A_106 = arith.minimumf %add3A_93, %add3A_96 : vector<1x1024xf32>
    %min3A_107 = arith.minimumf %min3A_105, %min3A_106 : vector<1x1024xf32>
    %sub3A_108 = arith.subf %max3A_104, %min3A_107 : vector<1x1024xf32>
    %abs3A = math.absf %select_n3A_58 : vector<1x1024xf32>
    %abs3A_109 = math.absf %select_n3A_64 : vector<1x1024xf32>
    %mul3A_110 = arith.mulf %sub3A_101, %abs3A : vector<1x1024xf32>
    %mul3A_111 = arith.mulf %sub3A_108, %abs3A_109 : vector<1x1024xf32>
    %add3A_112 = arith.addf %mul3A_110, %mul3A_111 : vector<1x1024xf32>
    %div3A_113 = arith.constant 2.000000e+00 : f32
    %div3A_114 = vector.broadcast %div3A_113 : f32 to vector<1x1024xf32>
    %div3A_115 = arith.divf %add3A_112, %div3A_114 : vector<1x1024xf32>
    %mul3A_116 = arith.mulf %sub3A_101, %abs3A_109 : vector<1x1024xf32>
    %mul3A_117 = arith.mulf %sub3A_108, %abs3A : vector<1x1024xf32>
    %add3A_118 = arith.addf %mul3A_116, %mul3A_117 : vector<1x1024xf32>
    %div3A_119 = arith.constant 2.000000e+00 : f32
    %div3A_120 = vector.broadcast %div3A_119 : f32 to vector<1x1024xf32>
    %div3A_121 = arith.divf %add3A_118, %div3A_120 : vector<1x1024xf32>
    %sub3A_122 = arith.subf %mul3A_41, %div3A_115 : vector<1x1024xf32>
    %sub3A_123 = arith.subf %mul3A_47, %div3A_121 : vector<1x1024xf32>
    %add3A_124 = arith.addf %mul3A_41, %div3A_115 : vector<1x1024xf32>
    %add3A_125 = arith.addf %mul3A_47, %div3A_121 : vector<1x1024xf32>
    %sub3A_126 = arith.subf %add3A_124, %sub3A_122 : vector<1x1024xf32>
    %max3A_127 = arith.constant 0.000000e+00 : f32
    %max3A_128 = vector.broadcast %max3A_127 : f32 to vector<1x1024xf32>
    %max3A_129 = arith.maximumf %sub3A_126, %max3A_128 : vector<1x1024xf32>
    %sub3A_130 = arith.subf %add3A_125, %sub3A_123 : vector<1x1024xf32>
    %max3A_131 = arith.constant 0.000000e+00 : f32
    %max3A_132 = vector.broadcast %max3A_131 : f32 to vector<1x1024xf32>
    %max3A_133 = arith.maximumf %sub3A_130, %max3A_132 : vector<1x1024xf32>
    %mul3A_134 = arith.mulf %max3A_129, %max3A_133 : vector<1x1024xf32>
    %slice3A_135 = vector.extract_strided_slice %get3A_8 {offsets = [0, 0], sizes = [1024, 1], strides = [1, 1]} : vector<1024x8xf32> to vector<1024x1xf32>
    %slice3A_136 = vector.extract_strided_slice %get3A_8 {offsets = [0, 1], sizes = [1024, 1], strides = [1, 1]} : vector<1024x8xf32> to vector<1024x1xf32>
    %slice3A_137 = vector.extract_strided_slice %get3A_8 {offsets = [0, 2], sizes = [1024, 1], strides = [1, 1]} : vector<1024x8xf32> to vector<1024x1xf32>
    %slice3A_138 = vector.extract_strided_slice %get3A_8 {offsets = [0, 3], sizes = [1024, 1], strides = [1, 1]} : vector<1024x8xf32> to vector<1024x1xf32>
    %slice3A_139 = vector.extract_strided_slice %get3A_8 {offsets = [0, 4], sizes = [1024, 1], strides = [1, 1]} : vector<1024x8xf32> to vector<1024x1xf32>
    %slice3A_140 = vector.extract_strided_slice %get3A_8 {offsets = [0, 5], sizes = [1024, 1], strides = [1, 1]} : vector<1024x8xf32> to vector<1024x1xf32>
    %slice3A_141 = vector.extract_strided_slice %get3A_8 {offsets = [0, 6], sizes = [1024, 1], strides = [1, 1]} : vector<1024x8xf32> to vector<1024x1xf32>
    %slice3A_142 = vector.extract_strided_slice %get3A_8 {offsets = [0, 7], sizes = [1024, 1], strides = [1, 1]} : vector<1024x8xf32> to vector<1024x1xf32>
    %add3A_143 = arith.addf %slice3A_135, %slice3A_136 : vector<1024x1xf32>
    %add3A_144 = arith.addf %slice3A_137, %slice3A_138 : vector<1024x1xf32>
    %add3A_145 = arith.addf %slice3A_141, %slice3A_139 : vector<1024x1xf32>
    %add3A_146 = arith.addf %slice3A_142, %slice3A_140 : vector<1024x1xf32>
    %div3A_147 = arith.constant 2.000000e+00 : f32
    %div3A_148 = vector.broadcast %div3A_147 : f32 to vector<1024x1xf32>
    %div3A_149 = arith.divf %add3A_143, %div3A_148 : vector<1024x1xf32>
    %sub3A_150 = arith.subf %add3A_145, %div3A_149 : vector<1024x1xf32>
    %div3A_151 = arith.constant 2.000000e+00 : f32
    %div3A_152 = vector.broadcast %div3A_151 : f32 to vector<1024x1xf32>
    %div3A_153 = arith.divf %add3A_144, %div3A_152 : vector<1024x1xf32>
    %sub3A_154 = arith.subf %add3A_146, %div3A_153 : vector<1024x1xf32>
    %div3A_155 = arith.constant 2.000000e+00 : f32
    %div3A_156 = vector.broadcast %div3A_155 : f32 to vector<1024x1xf32>
    %div3A_157 = arith.divf %add3A_143, %div3A_156 : vector<1024x1xf32>
    %add3A_158 = arith.addf %add3A_145, %div3A_157 : vector<1024x1xf32>
    %div3A_159 = arith.constant 2.000000e+00 : f32
    %div3A_160 = vector.broadcast %div3A_159 : f32 to vector<1024x1xf32>
    %div3A_161 = arith.divf %add3A_144, %div3A_160 : vector<1024x1xf32>
    %add3A_162 = arith.addf %add3A_146, %div3A_161 : vector<1024x1xf32>
    %add3A_163 = arith.addf %sub3A_150, %slice3A_135 : vector<1024x1xf32>
    %add3A_164 = arith.addf %sub3A_154, %slice3A_137 : vector<1024x1xf32>
    %sub3A_165 = arith.subf %add3A_158, %slice3A_135 : vector<1024x1xf32>
    %sub3A_166 = arith.subf %add3A_162, %slice3A_137 : vector<1024x1xf32>
    %add3A_167 = arith.addf %add3A_163, %add3A_158 : vector<1024x1xf32>
    %add3A_168 = arith.addf %sub3A_165, %sub3A_150 : vector<1024x1xf32>
    %add3A_169 = arith.addf %add3A_167, %add3A_168 : vector<1024x1xf32>
    %mul3A_170 = arith.constant 2.500000e-01 : f32
    %mul3A_171 = vector.broadcast %mul3A_170 : f32 to vector<1024x1xf32>
    %mul3A_172 = arith.mulf %add3A_169, %mul3A_171 : vector<1024x1xf32>
    %add3A_173 = arith.addf %sub3A_154, %add3A_164 : vector<1024x1xf32>
    %add3A_174 = arith.addf %add3A_162, %sub3A_166 : vector<1024x1xf32>
    %add3A_175 = arith.addf %add3A_173, %add3A_174 : vector<1024x1xf32>
    %mul3A_176 = arith.constant 2.500000e-01 : f32
    %mul3A_177 = vector.broadcast %mul3A_176 : f32 to vector<1024x1xf32>
    %mul3A_178 = arith.mulf %add3A_175, %mul3A_177 : vector<1024x1xf32>
    %sub3A_179 = arith.subf %add3A_158, %add3A_163 : vector<1024x1xf32>
    %sub3A_180 = arith.subf %add3A_164, %sub3A_154 : vector<1024x1xf32>
    %mul3A_181 = arith.mulf %sub3A_179, %sub3A_179 : vector<1024x1xf32>
    %mul3A_182 = arith.mulf %sub3A_180, %sub3A_180 : vector<1024x1xf32>
    %add3A_183 = arith.addf %mul3A_181, %mul3A_182 : vector<1024x1xf32>
    %sqrt3A_184 = math.sqrt %add3A_183 : vector<1024x1xf32>
    %gt3A_185 = arith.constant 0.000000e+00 : f32
    %gt3A_186 = vector.broadcast %gt3A_185 : f32 to vector<1024x1xf32>
    %gt3A_187 = arith.cmpf ogt, %sqrt3A_184, %gt3A_186 : vector<1024x1xf32>
    %jit3A_188 = arith.constant 1.000000e+00 : f32
    %broadcast_in_dim3A_189 = vector.broadcast %jit3A_188 : f32 to vector<1024x1xf32>
    %select_n3A_190 = arith.select %gt3A_187, %sqrt3A_184, %broadcast_in_dim3A_189 : vector<1024x1xi1>, vector<1024x1xf32>
    %div3A_191 = arith.divf %sub3A_179, %select_n3A_190 : vector<1024x1xf32>
    %jit3A_192 = arith.constant 1.000000e+00 : f32
    %broadcast_in_dim3A_193 = vector.broadcast %jit3A_192 : f32 to vector<1024x1xf32>
    %select_n3A_194 = arith.select %gt3A_187, %div3A_191, %broadcast_in_dim3A_193 : vector<1024x1xi1>, vector<1024x1xf32>
    %neg3A_195 = arith.constant 0.000000e+00 : f32
    %neg3A_196 = vector.broadcast %neg3A_195 : f32 to vector<1024x1xf32>
    %neg3A_197 = arith.subf %neg3A_196, %sub3A_180 : vector<1024x1xf32>
    %div3A_198 = arith.divf %neg3A_197, %select_n3A_190 : vector<1024x1xf32>
    %jit3A_199 = arith.constant 0.000000e+00 : f32
    %broadcast_in_dim3A_200 = vector.broadcast %jit3A_199 : f32 to vector<1024x1xf32>
    %select_n3A_201 = arith.select %gt3A_187, %div3A_198, %broadcast_in_dim3A_200 : vector<1024x1xi1>, vector<1024x1xf32>
    %sub3A_202 = arith.subf %add3A_163, %mul3A_172 : vector<1024x1xf32>
    %sub3A_203 = arith.subf %sub3A_154, %mul3A_178 : vector<1024x1xf32>
    %sub3A_204 = arith.subf %add3A_158, %mul3A_172 : vector<1024x1xf32>
    %sub3A_205 = arith.subf %add3A_164, %mul3A_178 : vector<1024x1xf32>
    %sub3A_206 = arith.subf %sub3A_165, %mul3A_172 : vector<1024x1xf32>
    %sub3A_207 = arith.subf %add3A_162, %mul3A_178 : vector<1024x1xf32>
    %sub3A_208 = arith.subf %sub3A_150, %mul3A_172 : vector<1024x1xf32>
    %sub3A_209 = arith.subf %sub3A_166, %mul3A_178 : vector<1024x1xf32>
    %mul3A_210 = arith.mulf %select_n3A_194, %sub3A_202 : vector<1024x1xf32>
    %mul3A_211 = arith.mulf %select_n3A_201, %sub3A_203 : vector<1024x1xf32>
    %sub3A_212 = arith.subf %mul3A_210, %mul3A_211 : vector<1024x1xf32>
    %mul3A_213 = arith.mulf %select_n3A_194, %sub3A_204 : vector<1024x1xf32>
    %mul3A_214 = arith.mulf %select_n3A_201, %sub3A_205 : vector<1024x1xf32>
    %sub3A_215 = arith.subf %mul3A_213, %mul3A_214 : vector<1024x1xf32>
    %mul3A_216 = arith.mulf %select_n3A_194, %sub3A_206 : vector<1024x1xf32>
    %mul3A_217 = arith.mulf %select_n3A_201, %sub3A_207 : vector<1024x1xf32>
    %sub3A_218 = arith.subf %mul3A_216, %mul3A_217 : vector<1024x1xf32>
    %mul3A_219 = arith.mulf %select_n3A_194, %sub3A_208 : vector<1024x1xf32>
    %mul3A_220 = arith.mulf %select_n3A_201, %sub3A_209 : vector<1024x1xf32>
    %sub3A_221 = arith.subf %mul3A_219, %mul3A_220 : vector<1024x1xf32>
    %mul3A_222 = arith.mulf %select_n3A_201, %sub3A_202 : vector<1024x1xf32>
    %mul3A_223 = arith.mulf %select_n3A_194, %sub3A_203 : vector<1024x1xf32>
    %add3A_224 = arith.addf %mul3A_222, %mul3A_223 : vector<1024x1xf32>
    %mul3A_225 = arith.mulf %select_n3A_201, %sub3A_204 : vector<1024x1xf32>
    %mul3A_226 = arith.mulf %select_n3A_194, %sub3A_205 : vector<1024x1xf32>
    %add3A_227 = arith.addf %mul3A_225, %mul3A_226 : vector<1024x1xf32>
    %mul3A_228 = arith.mulf %select_n3A_201, %sub3A_206 : vector<1024x1xf32>
    %mul3A_229 = arith.mulf %select_n3A_194, %sub3A_207 : vector<1024x1xf32>
    %add3A_230 = arith.addf %mul3A_228, %mul3A_229 : vector<1024x1xf32>
    %mul3A_231 = arith.mulf %select_n3A_201, %sub3A_208 : vector<1024x1xf32>
    %mul3A_232 = arith.mulf %select_n3A_194, %sub3A_209 : vector<1024x1xf32>
    %add3A_233 = arith.addf %mul3A_231, %mul3A_232 : vector<1024x1xf32>
    %max3A_234 = arith.maximumf %sub3A_212, %sub3A_215 : vector<1024x1xf32>
    %max3A_235 = arith.maximumf %sub3A_218, %sub3A_221 : vector<1024x1xf32>
    %max3A_236 = arith.maximumf %max3A_234, %max3A_235 : vector<1024x1xf32>
    %min3A_237 = arith.minimumf %sub3A_212, %sub3A_215 : vector<1024x1xf32>
    %min3A_238 = arith.minimumf %sub3A_218, %sub3A_221 : vector<1024x1xf32>
    %min3A_239 = arith.minimumf %min3A_237, %min3A_238 : vector<1024x1xf32>
    %sub3A_240 = arith.subf %max3A_236, %min3A_239 : vector<1024x1xf32>
    %max3A_241 = arith.maximumf %add3A_224, %add3A_227 : vector<1024x1xf32>
    %max3A_242 = arith.maximumf %add3A_230, %add3A_233 : vector<1024x1xf32>
    %max3A_243 = arith.maximumf %max3A_241, %max3A_242 : vector<1024x1xf32>
    %min3A_244 = arith.minimumf %add3A_224, %add3A_227 : vector<1024x1xf32>
    %min3A_245 = arith.minimumf %add3A_230, %add3A_233 : vector<1024x1xf32>
    %min3A_246 = arith.minimumf %min3A_244, %min3A_245 : vector<1024x1xf32>
    %sub3A_247 = arith.subf %max3A_243, %min3A_246 : vector<1024x1xf32>
    %abs3A_248 = math.absf %select_n3A_194 : vector<1024x1xf32>
    %abs3A_249 = math.absf %select_n3A_201 : vector<1024x1xf32>
    %mul3A_250 = arith.mulf %sub3A_240, %abs3A_248 : vector<1024x1xf32>
    %mul3A_251 = arith.mulf %sub3A_247, %abs3A_249 : vector<1024x1xf32>
    %add3A_252 = arith.addf %mul3A_250, %mul3A_251 : vector<1024x1xf32>
    %div3A_253 = arith.constant 2.000000e+00 : f32
    %div3A_254 = vector.broadcast %div3A_253 : f32 to vector<1024x1xf32>
    %div3A_255 = arith.divf %add3A_252, %div3A_254 : vector<1024x1xf32>
    %mul3A_256 = arith.mulf %sub3A_240, %abs3A_249 : vector<1024x1xf32>
    %mul3A_257 = arith.mulf %sub3A_247, %abs3A_248 : vector<1024x1xf32>
    %add3A_258 = arith.addf %mul3A_256, %mul3A_257 : vector<1024x1xf32>
    %div3A_259 = arith.constant 2.000000e+00 : f32
    %div3A_260 = vector.broadcast %div3A_259 : f32 to vector<1024x1xf32>
    %div3A_261 = arith.divf %add3A_258, %div3A_260 : vector<1024x1xf32>
    %sub3A_262 = arith.subf %mul3A_172, %div3A_255 : vector<1024x1xf32>
    %sub3A_263 = arith.subf %mul3A_178, %div3A_261 : vector<1024x1xf32>
    %add3A_264 = arith.addf %mul3A_172, %div3A_255 : vector<1024x1xf32>
    %add3A_265 = arith.addf %mul3A_178, %div3A_261 : vector<1024x1xf32>
    %sub3A_266 = arith.subf %add3A_264, %sub3A_262 : vector<1024x1xf32>
    %max3A_267 = arith.constant 0.000000e+00 : f32
    %max3A_268 = vector.broadcast %max3A_267 : f32 to vector<1024x1xf32>
    %max3A_269 = arith.maximumf %sub3A_266, %max3A_268 : vector<1024x1xf32>
    %sub3A_270 = arith.subf %add3A_265, %sub3A_263 : vector<1024x1xf32>
    %max3A_271 = arith.constant 0.000000e+00 : f32
    %max3A_272 = vector.broadcast %max3A_271 : f32 to vector<1024x1xf32>
    %max3A_273 = arith.maximumf %sub3A_270, %max3A_272 : vector<1024x1xf32>
    %mul3A_274 = arith.mulf %max3A_269, %max3A_273 : vector<1024x1xf32>
    %get3A_275 = arith.constant 0 : index
    %get3A_276 = arith.constant 0 : index
    %get3A_277 = arith.constant 0 : index
    %get3A_278 = vector.load %arg3[%get3A_275, %get3A_276, %get3A_277] : memref<1x1x1024xf32, #tpu.memory_space<vmem>>, vector<1x1x1024xf32>
    %get3A_279 = vector.shape_cast %get3A_278 : vector<1x1x1024xf32> to vector<1x1024xf32>
    %get3A_280 = arith.constant 0 : index
    %get3A_281 = arith.constant 0 : index
    %get3A_282 = arith.constant 0 : index
    %get3A_283 = vector.load %arg4[%get3A_280, %get3A_281, %get3A_282] : memref<1x1024x1xf32, #tpu.memory_space<vmem>>, vector<1x1024x1xf32>
    %get3A_284 = vector.shape_cast %get3A_283 : vector<1x1024x1xf32> to vector<1024x1xf32>
    %get3A_285 = arith.constant 0 : index
    %get3A_286 = arith.constant 0 : index
    %get3A_287 = arith.constant 0 : index
    %get3A_288 = vector.load %arg5[%get3A_285, %get3A_286, %get3A_287] : memref<1x1x1024xf32, #tpu.memory_space<vmem>>, vector<1x1x1024xf32>
    %get3A_289 = vector.shape_cast %get3A_288 : vector<1x1x1024xf32> to vector<1x1024xf32>
    %get3A_290 = arith.constant 0 : index
    %get3A_291 = arith.constant 0 : index
    %get3A_292 = arith.constant 0 : index
    %get3A_293 = vector.load %arg6[%get3A_290, %get3A_291, %get3A_292] : memref<1x1024x1xf32, #tpu.memory_space<vmem>>, vector<1x1024x1xf32>
    %get3A_294 = vector.shape_cast %get3A_293 : vector<1x1024x1xf32> to vector<1024x1xf32>
    %gt3A_295 = arith.constant 0.000000e+00 : f32
    %gt3A_296 = vector.broadcast %gt3A_295 : f32 to vector<1x1024xf32>
    %gt3A_297 = arith.cmpf ogt, %get3A_279, %gt3A_296 : vector<1x1024xf32>
    %gt3A_298 = arith.constant 0.000000e+00 : f32
    %gt3A_299 = vector.broadcast %gt3A_298 : f32 to vector<1024x1xf32>
    %gt3A_300 = arith.cmpf ogt, %get3A_284, %gt3A_299 : vector<1024x1xf32>
    %max3A_301 = vector.broadcast %sub3A_262 : vector<1024x1xf32> to vector<1024x1024xf32>
    %max3A_302 = vector.broadcast %sub3A_122 : vector<1x1024xf32> to vector<1024x1024xf32>
    %max3A_303 = arith.maximumf %max3A_301, %max3A_302 : vector<1024x1024xf32>
    %max3A_304 = vector.broadcast %sub3A_263 : vector<1024x1xf32> to vector<1024x1024xf32>
    %max3A_305 = vector.broadcast %sub3A_123 : vector<1x1024xf32> to vector<1024x1024xf32>
    %max3A_306 = arith.maximumf %max3A_304, %max3A_305 : vector<1024x1024xf32>
    %min3A_307 = vector.broadcast %add3A_264 : vector<1024x1xf32> to vector<1024x1024xf32>
    %min3A_308 = vector.broadcast %add3A_124 : vector<1x1024xf32> to vector<1024x1024xf32>
    %min3A_309 = arith.minimumf %min3A_307, %min3A_308 : vector<1024x1024xf32>
    %min3A_310 = vector.broadcast %add3A_265 : vector<1024x1xf32> to vector<1024x1024xf32>
    %min3A_311 = vector.broadcast %add3A_125 : vector<1x1024xf32> to vector<1024x1024xf32>
    %min3A_312 = arith.minimumf %min3A_310, %min3A_311 : vector<1024x1024xf32>
    %sub3A_313 = arith.subf %min3A_309, %max3A_303 : vector<1024x1024xf32>
    %max3A_314 = arith.constant 0.000000e+00 : f32
    %max3A_315 = vector.broadcast %max3A_314 : f32 to vector<1024x1024xf32>
    %max3A_316 = arith.maximumf %sub3A_313, %max3A_315 : vector<1024x1024xf32>
    %sub3A_317 = arith.subf %min3A_312, %max3A_306 : vector<1024x1024xf32>
    %max3A_318 = arith.constant 0.000000e+00 : f32
    %max3A_319 = vector.broadcast %max3A_318 : f32 to vector<1024x1024xf32>
    %max3A_320 = arith.maximumf %sub3A_317, %max3A_319 : vector<1024x1024xf32>
    %mul3A_321 = arith.mulf %max3A_316, %max3A_320 : vector<1024x1024xf32>
    %add3A_322 = vector.broadcast %mul3A_274 : vector<1024x1xf32> to vector<1024x1024xf32>
    %add3A_323 = vector.broadcast %mul3A_134 : vector<1x1024xf32> to vector<1024x1024xf32>
    %add3A_324 = arith.addf %add3A_322, %add3A_323 : vector<1024x1024xf32>
    %sub3A_325 = arith.subf %add3A_324, %mul3A_321 : vector<1024x1024xf32>
    %add3A_326 = arith.constant 9.99999971E-10 : f32
    %add3A_327 = vector.broadcast %add3A_326 : f32 to vector<1024x1024xf32>
    %add3A_328 = arith.addf %sub3A_325, %add3A_327 : vector<1024x1024xf32>
    %div3A_329 = arith.divf %mul3A_321, %add3A_328 : vector<1024x1024xf32>
    %iota3A = tpu.iota {dimensions = array<i32: 1>} : vector<1x1024xi32>
    %iota3A_330 = tpu.iota {dimensions = array<i32: 0>} : vector<1024x1xi32>
    %gt3A_331 = arith.constant 5.000000e-01 : f32
    %gt3A_332 = vector.broadcast %gt3A_331 : f32 to vector<1024x1024xf32>
    %gt3A_333 = arith.cmpf ogt, %div3A_329, %gt3A_332 : vector<1024x1024xf32>
    %eq3A = vector.broadcast %get3A_294 : vector<1024x1xf32> to vector<1024x1024xf32>
    %eq3A_334 = vector.broadcast %get3A_289 : vector<1x1024xf32> to vector<1024x1024xf32>
    %eq3A_335 = arith.cmpf oeq, %eq3A, %eq3A_334 : vector<1024x1024xf32>
    %and3A = arith.andi %gt3A_333, %eq3A_335 : vector<1024x1024xi1>
    %gt3A_336 = vector.broadcast %iota3A : vector<1x1024xi32> to vector<1024x1024xi32>
    %gt3A_337 = vector.broadcast %iota3A_330 : vector<1024x1xi32> to vector<1024x1024xi32>
    %gt3A_338 = arith.cmpi sgt, %gt3A_336, %gt3A_337 : vector<1024x1024xi32>
    %and3A_339 = arith.andi %and3A, %gt3A_338 : vector<1024x1024xi1>
    %and3A_340 = vector.broadcast %gt3A_300 : vector<1024x1xi1> to vector<1024x1024xi1>
    %and3A_341 = arith.andi %and3A_339, %and3A_340 : vector<1024x1024xi1>
    %convert_element_type3A = arith.extui %and3A_341 : vector<1024x1024xi1> to vector<1024x1024xi32>
    %convert_element_type3A_342 = arith.sitofp %convert_element_type3A : vector<1024x1024xi32> to vector<1024x1024xf32>
    %swap3A = arith.constant 0 : index
    %swap3A_343 = arith.constant 0 : index
    %swap3A_344 = vector.load %arg8[%swap3A, %swap3A_343] : memref<1024x1024xf32, #tpu.memory_space<vmem>>, vector<1024x1024xf32>
    tpu.vector_store %arg8[%swap3A, %swap3A_343], %convert_element_type3A_342 {strides = array<i32>} : memref<1024x1024xf32, #tpu.memory_space<vmem>>, vector<1024x1024xf32>,
    %convert_element_type3A_345 = arith.extui %gt3A_297 : vector<1x1024xi1> to vector<1x1024xi32>
    %convert_element_type3A_346 = arith.sitofp %convert_element_type3A_345 : vector<1x1024xi32> to vector<1x1024xf32>
    %scan3A = arith.constant 0 : i32
    %scan3A_347 = arith.constant 1024 : i32
    %scan3A_348 = arith.addi %scan3A, %scan3A_347 : i32
    %scan3A_349 = arith.constant 1 : i32
    %scan3A_350 = scf.for %scan3A_371 = %scan3A to %scan3A_348 step %scan3A_349 iter_args(%scan3A_372 = %convert_element_type3A_346) -> (vector<1x1024xf32>)  : i32 {
      %get3A_373 = arith.index_cast %scan3A_371 : i32 to index
      %get3A_374 = arith.constant 0 : index
      %get3A_375 = vector.load %arg8[%get3A_373, %get3A_374] : memref<1024x1024xf32, #tpu.memory_space<vmem>>, vector<1x1024xf32>
      %eq3A_376 = vector.broadcast %scan3A_371 : i32 to vector<1x1024xi32>
      %eq3A_377 = arith.cmpi eq, %iota3A, %eq3A_376 : vector<1x1024xi32>
      %jit3A_378 = arith.constant 0.000000e+00 : f32
      %broadcast_in_dim3A_379 = vector.broadcast %jit3A_378 : f32 to vector<1x1024xf32>
      %select_n3A_380 = arith.select %eq3A_377, %scan3A_372, %broadcast_in_dim3A_379 : vector<1x1024xi1>, vector<1x1024xf32>
      %reduce_max3A = vector.shape_cast %select_n3A_380 : vector<1x1024xf32> to vector<1x1x1024xf32>
      %reduce_max3A_381 = arith.constant dense<0xFF800000> : vector<1xf32>
      %reduce_max3A_382 = vector.multi_reduction <maximumf>, %reduce_max3A, %reduce_max3A_381 [1, 2] : vector<1x1x1024xf32> to vector<1xf32>
      %reduce_max3A_383 = vector.shape_cast %reduce_max3A_382 : vector<1xf32> to vector<1x1x1xf32>
      %reduce_max3A_384 = vector.extract %reduce_max3A_383[0, 0, 0] : f32 from vector<1x1x1xf32>
      %mul3A_385 = vector.broadcast %reduce_max3A_384 : f32 to vector<1x1024xf32>
      %mul3A_386 = arith.mulf %get3A_375, %mul3A_385 : vector<1x1024xf32>
      %sub3A_387 = arith.constant 1.000000e+00 : f32
      %sub3A_388 = vector.broadcast %sub3A_387 : f32 to vector<1x1024xf32>
      %sub3A_389 = arith.subf %sub3A_388, %mul3A_386 : vector<1x1024xf32>
      %mul3A_390 = arith.mulf %scan3A_372, %sub3A_389 : vector<1x1024xf32>
      scf.yield %mul3A_390 : vector<1x1024xf32>
    }
    %scan3A_351 = arith.constant 1024 : i32
    %max3A_352 = arith.constant 9.99999996E-13 : f32
    %max3A_353 = vector.broadcast %max3A_352 : f32 to vector<1x1024xf32>
    %max3A_354 = arith.maximumf %get3A_279, %max3A_353 : vector<1x1024xf32>
    %sqrt3A_355 = math.sqrt %max3A_354 : vector<1x1024xf32>
    %convert_element_type3A_356 = arith.extui %gt3A_297 : vector<1x1024xi1> to vector<1x1024xi32>
    %convert_element_type3A_357 = arith.sitofp %convert_element_type3A_356 : vector<1x1024xi32> to vector<1x1024xf32>
    %mul3A_358 = arith.mulf %sqrt3A_355, %convert_element_type3A_357 : vector<1x1024xf32>
    %gt3A_359 = arith.constant 5.000000e-01 : f32
    %gt3A_360 = vector.broadcast %gt3A_359 : f32 to vector<1x1024xf32>
    %gt3A_361 = arith.cmpf ogt, %scan3A_350, %gt3A_360 : vector<1x1024xf32>
    %jit3A_362 = arith.constant -1.000000e+00 : f32
    %broadcast_in_dim3A_363 = vector.broadcast %jit3A_362 : f32 to vector<1x1024xf32>
    %select_n3A_364 = arith.select %gt3A_361, %mul3A_358, %broadcast_in_dim3A_363 : vector<1x1024xi1>, vector<1x1024xf32>
    %concatenate3A = tpu.concatenate %mul3A_41, %mul3A_47, %sub3A_101, %sub3A_108, %sub3A_48, %sub3A_49, %mul3A_358, %select_n3A_364 in 0 : vector<1x1024xf32>, vector<1x1024xf32>, vector<1x1024xf32>, vector<1x1024xf32>, vector<1x1024xf32>, vector<1x1024xf32>, vector<1x1024xf32>, vector<1x1024xf32> -> vector<8x1024xf32>
    %swap3A_365 = arith.constant 0 : index
    %swap3A_366 = arith.constant 0 : index
    %swap3A_367 = arith.constant 0 : index
    %swap3A_368 = vector.load %arg7[%swap3A_365, %swap3A_366, %swap3A_367] : memref<1x8x1024xf32, #tpu.memory_space<vmem>>, vector<1x8x1024xf32>
    %swap3A_369 = vector.shape_cast %swap3A_368 : vector<1x8x1024xf32> to vector<8x1024xf32>
    %swap3A_370 = vector.shape_cast %concatenate3A : vector<8x1024xf32> to vector<1x8x1024xf32>
    tpu.vector_store %arg7[%swap3A_365, %swap3A_366, %swap3A_367], %swap3A_370 {strides = array<i32>} : memref<1x8x1024xf32, #tpu.memory_space<vmem>>, vector<1x8x1024xf32>,
    return
  }
  func.func @transform_0(%arg0: i32) -> (i32, i32, i32) {
    %c0_i32 = arith.constant 0 : i32
    %c0_i32_0 = arith.constant 0 : i32
    %c0_i32_1 = arith.constant 0 : i32
    return %arg0, %c0_i32, %c0_i32_0 : i32, i32, i32
  }
  func.func @transform_1(%arg0: i32) -> (i32, i32, i32) {
    %c0_i32 = arith.constant 0 : i32
    %c0_i32_0 = arith.constant 0 : i32
    %c0_i32_1 = arith.constant 0 : i32
    return %arg0, %c0_i32, %c0_i32_0 : i32, i32, i32
  }
  func.func @transform_2(%arg0: i32) -> (i32, i32, i32) {
    %c0_i32 = arith.constant 0 : i32
    %c0_i32_0 = arith.constant 0 : i32
    %c0_i32_1 = arith.constant 0 : i32
    return %arg0, %c0_i32, %c0_i32_0 : i32, i32, i32
  }
  func.func @transform_3(%arg0: i32) -> (i32, i32, i32) {
    %c0_i32 = arith.constant 0 : i32
    %c0_i32_0 = arith.constant 0 : i32
    %c0_i32_1 = arith.constant 0 : i32
    return %arg0, %c0_i32, %c0_i32_0 : i32, i32, i32
  }
  func.func @transform_4(%arg0: i32) -> (i32, i32, i32) {
    %c0_i32 = arith.constant 0 : i32
    %c0_i32_0 = arith.constant 0 : i32
    %c0_i32_1 = arith.constant 0 : i32
    return %arg0, %c0_i32, %c0_i32_0 : i32, i32, i32
  }
  func.func @transform_5(%arg0: i32) -> (i32, i32, i32) {
    %c0_i32 = arith.constant 0 : i32
    %c0_i32_0 = arith.constant 0 : i32
    %c0_i32_1 = arith.constant 0 : i32
    return %arg0, %c0_i32, %c0_i32_0 : i32, i32, i32
  }
  func.func @transform_6(%arg0: i32) -> (i32, i32, i32) {
    %c0_i32 = arith.constant 0 : i32
    %c0_i32_0 = arith.constant 0 : i32
    %c0_i32_1 = arith.constant 0 : i32
    return %arg0, %c0_i32, %c0_i32_0 : i32, i32, i32
  }
}

</mosaic_0001>

<sc_bundles>
// kernel: gather_offload_async_start.1
scs
__scs_entry_jumppad:
0x0: {  	(pc) =	sbr.rel $0x88, $3  }
0x1: {  	(tag) =	ssettag $0x0;
	lr =	simm.s32 $0x1  }
0x2: {  	[smem:$0x3F9C] =	sst lr;
	_ =	strace $0xD0000000  }
0x3: {  	_ = 	snop  }
0x4: {  	_ = 	snop  }
0x5: {  	_ = 	snop  }
0x6: {  	_ = 	snop  }
0x7: {  	_ = 	snop  }
__scs_overlays_trampoline_lowered:
0x8: {  	[smem:$0x3FAB] =	sst s0  }
0x9: {  	[smem:$0x3FAC] =	sst s1  }
0xa: {  	[smem:$0x3FAD] =	sst s2  }
0xb: {  	[smem:$0x3FAE] =	sst s3  }
0xc: {  	[smem:$0x3FAF] =	sst s4  }
0xd: {  	[smem:$0x3FB0] =	sst s5  }
0xe: {  	[smem:$0x3FB1] =	sst s6  }
0xf: {  	[smem:$0x3FB2] =	sst s7  }
0x10: {  	[smem:$0x3FB3] =	sst s8  }
0x11: {  	[smem:$0x3FB4] =	sst s9;
	s0 =	simm.s32 @!p0 $0x0  }
0x12: {  	s1 =	sld [smem:$0x3F9A];
	s0 =	simm.s32 @p0 $0x1  }
0x13: {  	[smem:$0x3FB5] =	sst s0;
	s0 =	simm.s32 @!p1 $0x0  }
0x14: {  	s2 =	sld [smem:$0x3F99];
	s0 =	simm.s32 @p1 $0x1  }
0x15: {  	[smem:$0x3FB6] =	sst s0;
	s0 =	simm.s32 @!p2 $0x0  }
0x16: {  	s3 =	sld [smem:$0x3FDB];
	s0 =	simm.s32 @p2 $0x1  }
0x17: {  	s4 =	simm.s32 $0x1BF5;
	[smem:$0x3FB8] =	sst s0  }
0x18: {  	s0 =	sld [smem:$0x3F9B];
	_ =	swait.ge [sflag:s4], $0x0  }
0x19: {  	s7 =	sld [smem:$0x3F9C]  }
0x1a: {  	s8 =	sadd.s32 $0xFFFFE003, lr  }
0x1b: {  	s9 =	sadd.s32 $0xFFFFFEF7, lr;
	s5 =	simm.s32 $0xFFFFFFFF;
	p2 =	slt.u32 s8, $0xFFFFF086  }
0x1c: {  	p1 =	slt.u32 s9, $0xF7A;
	s5 =	simm.s32 @!p2 $0x0  }
0x1d: {  	s5 =	simm.s32 @p1 $0x1;
	p0 =	seq.s32 s7, s2  }
0x1e: {  	s7 =	smul.u32 @!p0 $0xF7A, s2;
	p2 =	seq.s32 @!p0 s5, $0x0  }
0x1f: {  	s9 =	smul.u32 $0xF7A, s1;
	s8 =	simm.s32 @!p0 $0x1BF5;
	p2 =	por !p2, p0  }
0x20: {  	[sflag:s8] =	ssyncset.s32 @!p0 $0xFFFFF086;
	s6 =	sadd.s32 @!p0 s3, s7;
	s7 =	simm.s32 @!p0 $0x108  }
0x21: {  	s3 =	sadd.s32 s3, s9;
	s6 =	sadd.s32 @!p0 $0x88, s6;
	s7 =	simm.s32 @p2 $0x1082  }
0x22: {  	[simem:s7], [sflag:s8] =	dma.local @!p0 [hbm:s6], $0xF7A  }
0x23: {  	s9 =	sor.u32 $0xD0000000, s2;
	s6 =	simm.s32 $0x108;
	_ =	swait.ge @!p0 [sflag:s8], $0x0  }
0x24: {  	s3 =	sadd.s32 $0x88, s3;
	s6 =	simm.s32 @!p1 $0x1082;
	[sflag:s4] =	ssyncset.s32 $0xFFFFF086  }
0x25: {  	[simem:s6], [sflag:s4] =	dma.local [hbm:s3], $0xF7A  }
0x26: {  	[smem:$0x3F9C] =	sst s1;
	(tag) =	ssettag s2;
	_ =	strace s9  }
0x27: {  	s1 =	sld [smem:$0x3FAC]  }
0x28: {  	s2 =	sld [smem:$0x3FAD]  }
0x29: {  	s4 =	sld [smem:$0x3FAF]  }
0x2a: {  	p0 =	seq.s32 s5, $0x0;
	s5 =	sld [smem:$0x3FB0]  }
0x2b: {  	s6 =	sld [smem:$0x3FB1]  }
0x2c: {  	s7 =	sld [smem:$0x3FB2]  }
0x2d: {  	s3 =	simm.s32 $0x108;
	s8 =	sld [smem:$0x3FB3]  }
0x2e: {  	s3 =	simm.s32 @!p0 $0x1082;
	s9 =	sld [smem:$0x3FB4]  }
0x2f: {  	lr =	sadd.s32 s0, s3;
	s0 =	sld [smem:$0x3FAB]  }
0x30: {  	s3 =	sld [smem:$0x3FAE]  }
0x31: {  	[smem:$0x3FB7] =	sst s10  }
0x32: {  	s10 =	sld [smem:$0x3FB5];
	_ =	sdelay $0x3  }
0x33: {  	p0 =	seq.s32 s10, $0x1;
	s10 =	sld [smem:$0x3FB7];
	_ =	sdelay $0x3  }
0x34: {  	[smem:$0x3FB7] =	sst s10  }
0x35: {  	s10 =	sld [smem:$0x3FB6];
	_ =	sdelay $0x3  }
0x36: {  	p1 =	seq.s32 s10, $0x1;
	s10 =	sld [smem:$0x3FB7];
	_ =	sdelay $0x3  }
0x37: {  	[smem:$0x3FB7] =	sst s10  }
0x38: {  	s10 =	sld [smem:$0x3FB8]  }
0x39: {  	_ = 	snop;
	(pc) =	sbr.ind lr, $3  }
0x3a: {  	_ = 	snop  }
0x3b: {  	_ = 	snop  }
0x3c: {  	p2 =	seq.s32 s10, $0x1;
	s10 =	sld [smem:$0x3FB7]  }
0x3d: {  	_ =	shalt  }
0x3e: {  	_ =	shalt  }
0x3f: {  	_ =	shalt  }
0x40: {  	_ =	shalt  }
0x41: {  	_ =	shalt  }
0x42: {  	_ =	shalt  }
0x43: {  	_ =	shalt  }
0x44: {  	_ =	shalt  }
0x45: {  	_ =	shalt  }
0x46: {  	_ =	shalt  }
0x47: {  	_ =	shalt  }
0x48: {  	_ =	shalt  }
0x49: {  	_ =	shalt  }
0x4a: {  	_ =	shalt  }
0x4b: {  	_ =	shalt  }
0x4c: {  	_ =	shalt  }
0x4d: {  	_ =	shalt  }
0x4e: {  	_ =	shalt  }
0x4f: {  	_ =	shalt  }
0x50: {  	_ =	shalt  }
0x51: {  	_ =	shalt  }
0x52: {  	_ =	shalt  }
0x53: {  	_ =	shalt  }
0x54: {  	_ =	shalt  }
0x55: {  	_ =	shalt  }
0x56: {  	_ =	shalt  }
0x57: {  	_ =	shalt  }
0x58: {  	_ =	shalt  }
0x59: {  	_ =	shalt  }
0x5a: {  	_ =	shalt  }
0x5b: {  	_ =	shalt  }
0x5c: {  	_ =	shalt  }
0x5d: {  	_ =	shalt  }
0x5e: {  	_ =	shalt  }
0x5f: {  	_ =	shalt  }
0x60: {  	_ =	shalt  }
0x61: {  	_ =	shalt  }
0x62: {  	_ =	shalt  }
0x63: {  	_ =	shalt  }
0x64: {  	_ =	shalt  }
0x65: {  	_ =	shalt  }
0x66: {  	_ =	shalt  }
0x67: {  	_ =	shalt  }
0x68: {  	_ =	shalt  }
0x69: {  	_ =	shalt  }
0x6a: {  	_ =	shalt  }
0x6b: {  	_ =	shalt  }
0x6c: {  	_ =	shalt  }
0x6d: {  	_ =	shalt  }
0x6e: {  	_ =	shalt  }
0x6f: {  	_ =	shalt  }
0x70: {  	_ =	shalt  }
0x71: {  	_ =	shalt  }
0x72: {  	_ =	shalt  }
0x73: {  	_ =	shalt  }
0x74: {  	_ =	shalt  }
0x75: {  	_ =	shalt  }
0x76: {  	_ =	shalt  }
0x77: {  	_ =	shalt  }
0x78: {  	_ =	shalt  }
0x79: {  	_ =	shalt  }
0x7a: {  	_ =	shalt  }
0x7b: {  	_ =	shalt  }
0x7c: {  	_ =	shalt  }
0x7d: {  	_ =	shalt  }
0x7e: {  	_ =	shalt  }
0x7f: {  	_ =	shalt  }
0x80: {  	_ =	shalt  }
0x81: {  	_ =	shalt  }
0x82: {  	_ =	shalt  }
0x83: {  	_ =	shalt  }
0x84: {  	_ =	shalt  }
0x85: {  	_ =	shalt  }
0x86: {  	_ =	shalt  }
0x87: {  	_ =	shalt  }
.Lfunc_end0:
.L_simem_size_0:
called_computation.1_lowered:
.L_overlay_start_0:
0x88: {  	s0 =	sld [smem:$0x3FD9]  }
0x89: {  	s1 =	sld [smem:$0x3FFE];
	_ =	sdelay $0x3  }
0x8a: {  	s0 =	sadd.s32 s1, s0  }
0x8b: {  	[smem:$0x3FC3] =	sst s0  }
0x8c: {  	_ = 	snop  }
0x8d: {  	(tm) =	ssettm $0x1  }
0x8e: {  	s15 =	sld [smem:$0x3FFB];
	_ =	sdelay $0x3  }
0x8f: {  	_ =	strace s15  }
0x90: {  	s0 =	sld [smem:$0x3FFC];
	_ =	sdelay $0x3  }
0x91: {  	_ =	strace s0  }
0x92: {  	s0 =	sld [smem:$0x3FFD];
	_ =	sdelay $0x3  }
0x93: {  	_ =	strace s0  }
0x94: {  	_ =	strace $0x8FFFFFFF  }
0x95: {  	s16 =	sld [smem:$0x3FDB];
	_ =	sdelay $0x1  }
0x96: {  	s17 =	simm.s32 $_scs_section_size  }
0x97: {  	s2 =	simm.s32 $_size__tile_overlayer_lowered;
	s3 =	simm.s32 $_tile_overlayer_lowered  }
0x98: {  	s20 =	simm.s32 $0x1BFF;
	s19 =	sshll.u32 s3, $0x1;
	s0 =	sadd.s32 s17, s16  }
0x99: {  	s4 =	simm.s32 $0x0;
	s18 =	sshll.u32 s2, $0x1;
	s2 =	sadd.s32 s19, s0  }
0x9a: {  	[timem:s4], [sflag:s20] =	dma.local [hbm:s2], s18  }
0x9b: {  	_ =	swait.ge [sflag:s20], s18  }
0x9c: {  	s1 =	ssub.s32 $0x0, s18;
	[sflag:s20] =	ssyncset.done $0x0  }
0x9d: {  	[sflag:s20] =	ssyncadd.s32 s1;
	_ =	sdelay $0x1  }
0x9e: {  	s21 =	simm.s32 $0x1B8B  }
0x9f: {  	_ =	swait.ge [sflag:s21], $0x1  }
0xa0: {  	[sflag:s21] =	ssyncset.done $0x0  }
0xa1: {  	s23 =	simm.s32 $0x1B8E;
	s22 =	sld [smem:$0x3FFE];
	[sflag:s21] =	ssyncadd.s32 $0xFFFFFFFF  }
0xa2: {  	s24 =	simm.s32 $execute0_lowered;
	[smem:$0x3FD2] =	sst s23  }
0xa3: {  	s2 =	sshll.u32 s24, $0x1;
	_ =	strace $0x80000049;
	[dreg:$0x1] =	wrdreg $0xFFFFFFFF  }
0xa4: {  	s25 =	simm.s32 $_size_execute0_lowered;
	s0 =	sadd.s32 s0, s2;
	[dreg:$0x0] =	wrdreg $0x0  }
0xa5: {  	s2 =	sshll.u32 s25, $0x1;
	[dreg:$0x2] =	wrdreg s0  }
0xa6: {  	[dreg:$0x3] =	wrdreg s2  }
0xa7: {  	[dreg:$0x4] =	wrdreg $0xC0  }
0xa8: {  	_ =	task [dreg:s4], $0x5FFFF  }
0xa9: {  	[dreg:$0x1] =	wrdreg $0xFFFFFFFF  }
0xaa: {  	[dreg:$0x0] =	wrdreg $0x60  }
0xab: {  	[dreg:$0x2] =	wrdreg s22  }
0xac: {  	[dreg:$0x3] =	wrdreg $0x9  }
0xad: {  	_ =	task.clear_ibuf [dreg:s4], $0x4FFFF;
	_ =	strace $0x90000049  }
0xae: {  	s26 =	simm.s32 $0x9;
	_ =	strace $0x8000004B  }
0xaf: {  	_ =	swait.ge [sflag:s26], $0x1  }
0xb0: {  	[sflag:s26] =	ssyncadd.s32 $0xFFFFFFFF  }
0xb1: {  	_ =	strace $0x9000004B  }
0xb2: {  	_ =	sfence  }
0xb3: {  	s28 =	sld [smem:$0x0];
	_ =	sdelay $0x1  }
0xb4: {  	s29 =	srdreg.scid  }
0xb5: {  	s30 =	sshll.u32 s29, $0xD;
	s31 =	sshrl.u32 s29, $0x2  }
0xb6: {  	s1 =	sand.u32 $0x1, s29;
	s2 =	sand.u32 $0x4000, s30;
	s0 =	sadd.s32 s31, s28  }
0xb7: {  	s1 =	sor.u32 s2, s1;
	s0 =	sshll.u32 s0, $0x11  }
0xb8: {  	s0 =	sor.u32 s0, s1  }
0xb9: {  	s0 =	sadd.s32 $0x8F2B, s0  }
0xba: {  	[sflag:s0] =	ssyncadd.remote.s32 $0x1  }
0xbb: {  	_ =	sfence.sel $0xFFFF  }
0xbc: {  	[dreg:$0x0] =	wrdreg $0xFFFFFFFF;
	(pc) =	sbr.abs _section_cstart, $3  }
0xbd: {  	[dreg:$0x1] =	wrdreg $0xFFFFFFFF  }
0xbe: {  	_ =	task.clear_ibuf [dreg:s4], $0x2FFFF;
	_ =	strace $0x9FFFFFFF  }
0xbf: {  	(tm) =	ssettm $0x7FFFFFFF  }
tec
execute0_lowered:
.L_overlay_start_1:
0x0: {  	(tag) =	ssettag $0x1  }
0x1: {  	s0 =	stileid.u32  }
0x2: {  	s1 =	smin.u32 s0, $0x9  }
0x3: {  	s1 =	sadd.s32 s0, s1  }
0x4: {  	p0 =	slt.u32 s0, $0x9;
	s2 =	smul.u32 $0x50, s1;
	s1 =	simm.s32 $0xA0  }
0x5: {  	s1 =	simm.s32 @!p0 $0x50  }
0x6: {  	s1 =	sadd.s32 s1, s2  }
0x7: {  	s3 =	smin.u32 s1, $0x7D0  }
0x8: {  	s7 =	ssub.s32 s3, s2  }
0x9: {  	p0 =	sgt.s32 s7, $0x0  }
0xa: {  	s7 =	simm.s32 @!p0 $0x0  }
0xb: {  	s31 =	smul.u32 $0xCCCD, s7  }
0xc: {  	s4 =	rddreg [dreg:$0x0];
	s6 =	simm.s32 $0x1  }
0xd: {  	s10 =	simm.s32 $0x3;
	s13 =	simm.s32 $0x0;
	s8 =	sshrl.u32 s31, $0x16  }
0xe: {  	s12 =	simm.s32 $0x0;
	s5 =	sadd.s32 $0xA4600, s4;
	s9 =	smul.u32 $0x50, s8  }
.Ltmp0:
0xf: {  	s11 =	smov.u32 s2;
	s1 =	rddreg [dreg:$0x1];
	(pc) =	sbr.rel .LBB2_1-.Ltmp0, $4  }
0x10: {  	_ =	strace $0x8000004A;
	p0 =	sne.s32 s7, s9;
	s9 =	simm.s32 $0x1  }
0x11: {  	[sflag:s6] =	ssyncpa.u1 $0x0;
	s7 =	simm.s32 $0x2;
	s9 =	simm.s32 @!p0 $0x0  }
0x12: {  	[sflag:s7] =	ssyncpa.u1 $0x0;
	p0 =	por $0x0, $0x0;
	s8 =	sadd.s32 s8, s9  }
0x13: {  	v0 =	vimm.s32 $0x0;
	vm0 =	vmmov $0xff;
	vm1 =	vcmask $0x3F20;
	s9 =	sadd.s32 $0x18EC00, s4;
	[sflag:s10] =	ssyncpa.u1 $0x0;
	s10 =	sadd.s32 $0x1, s8  }
.LBB2_6:
0x14: {  	[hbm:s17] =	stream.linear.scatter [tilespmem:s14], [sflag:$0x3], $0x400, $0x38;
	[tilespmem:$0x50A0] =	vst v63  }
.LBB2_7:
0x15: {  	s13 =	sadd.s32 $0x50, s11  }
0x16: {  	s15 =	smov.u32 s2;
	p2 =	slt.s32 s13, s3  }
0x17: {  	s15 =	smov.u32 @p2 s13;
	p2 =	sne.s32 s12, s10  }
.Ltmp1:
0x18: {  	p1 =	slt.u32 s12, $0x2;
	(pc) =	sbr.rel @!p2 .LBB2_8-.Ltmp1, $4  }
0x19: {  	s14 =	simm.s32 @!p1 $0x3  }
0x1a: {  	s16 =	sadd.s32 $0x1, s12;
	_ =	swait.ge @!p1 [sflag:s14], $0x2800  }
0x1b: {  	p0 =	por !p0, !p0;
	s13 =	smov.u32 s11;
	[sflag:s14] =	ssyncset.done @!p1 $0x0  }
0x1c: {  	s12 =	smov.u32 s16;
	s11 =	smov.u32 s15;
	[sflag:s14] =	ssyncadd.s32 @!p1 $0xFFFFD800  }
.LBB2_1:
0x1d: {  	p1 =	sge.u32 s12, s8  }
0x1e: {  	s14 =	sxor.u32 @!p1 $0xFFFFFFFF, s12  }
0x1f: {  	s14 =	sand.u32 @!p1 $0x1, s14  }
0x20: {  	s14 =	smul.u32 @!p1 $0x140, s14  }
0x21: {  	s31 =	sadd.s32 $0xFFFFFFFF, s12;
	s15 =	sshrl.u32 @!p1 s11, $0x3  }
0x22: {  	s16 =	sand.u32 @!p1 $0x7, s11;
	s15 =	sadd.s32 @!p1 s4, s15;
	s14 =	sshrl.u32 @!p1 s14, $0x2  }
0x23: {  	[tilespmem:s14], [sflag:$0x2] =	stream.linear.gather @!p1 [hbm4b:s15+s16], $0x50, $0x38;
	[tilespmem:$0x50A0] =	vst v63  }
0x24: {  	p1 =	sge.u32 s31, s8  }
.Ltmp2:
0x25: {  	_ = 	snop;
	(pc) =	sbr.rel @p1 .LBB2_7-.Ltmp2, $1  }
0x26: {  	_ =	sdelay $0x3  }
0x27: {  	s14 =	simm.s32 $0x1  }
0x28: {  	s14 =	simm.s32 @!p0 $0x0  }
0x29: {  	s15 =	smul.u32 $0x140, s14  }
0x2a: {  	_ =	swait.ge [sflag:s7], $0x50  }
0x2b: {  	[sflag:s7] =	ssyncset.done $0x0;
	s16 =	sshrl.u32 s15, $0x2  }
0x2c: {  	[sflag:s7] =	ssyncadd.s32 $0xFFFFFFB0;
	s15 =	sadd.s32 $0x0, s16  }
0x2d: {  	v1 =	vld.msk [tilespmem:s15+$0x0 ss:$0x1], $0xffff;
	_ =	sdelay $0x4  }
0x2e: {  	v2 =	vand.u32 $0x1, v1;
	v3 =	vshll.u32 v1, $0x6  }
0x2f: {  	vm2 =	veq.s32 v1, $0x80000000;
	vm3 =	veq.s32 v2, $0x1;
	v1 =	vand.u32 $0x3FFF80, v3  }
0x30: {  	v2 =	vsel vm3, $0x271000, v0;
	v1 =	vsel vm2, $0xFFFFFF80, v1  }
0x31: {  	v2 =	vsel vm2, $0xFFD8F000, v2;
	v3 =	vand.u32 $0xFFFFFC00, v1  }
0x32: {  	v1 =	vand.u32 $0x380, v1;
	v2 =	vadd.s32 v2, v3  }
0x33: {  	v1 =	vor.u32 v1, v2  }
0x34: {  	v1 =	vshrl.u32 v1, $0x3  }
0x35: {  	s14 =	smul.u32 $0xA000, s14;
	_ =	sdelay $0x1  }
0x36: {  	s14 =	sshrl.u32 s14, $0x2  }
0x37: {  	s14 =	sor.u32 $0xA0, s14  }
0x38: {  	[tilespmem:s14], [sflag:$0x1] =	stream.indirect_vreg.gather [hbm:s5], $0x80, v1, vm0, $0x38;
	[tilespmem:$0x50A0] =	vst v63  }
0x39: {  	s17 =	sadd.s32 $0x10, s16;
	s15 =	sadd.s32 $0x400, s14  }
0x3a: {  	[tilespmem:s15], [sflag:$0x1] =	stream.indirect_vreg.gather [hbm:s5], $0x80, v1, vm1, $0x38;
	[tilespmem:$0x50A0] =	vst v63  }
0x3b: {  	s18 =	simm.s32 $0x80;
	v1 =	vld.msk [tilespmem:s17+$0x0 ss:$0x1], $0xffff;
	s17 =	smov.u32 s14  }
.LBB2_3:
0x3c: {  	p1 =	sne.s32 s18, $0x100;
	_ =	sdelay $0x4  }
0x3d: {  	v2 =	vand.u32 $0x1, v1;
	v3 =	vshll.u32 v1, $0x6  }
0x3e: {  	vm2 =	veq.s32 v1, $0x80000000;
	vm3 =	veq.s32 v2, $0x1;
	v1 =	vand.u32 $0x3FFF80, v3  }
0x3f: {  	v2 =	vsel vm3, $0x271000, v0;
	v1 =	vsel vm2, $0xFFFFFF80, v1  }
0x40: {  	v2 =	vsel vm2, $0xFFD8F000, v2;
	v3 =	vand.u32 $0xFFFFFC00, v1  }
0x41: {  	v1 =	vand.u32 $0x380, v1;
	v2 =	vadd.s32 v2, v3  }
0x42: {  	v1 =	vor.u32 v1, v2  }
0x43: {  	v1 =	vshrl.u32 v1, $0x3;
	_ =	sdelay $0x3  }
.Ltmp3:
0x44: {  	s19 =	sshra.s32 s18, $0x2;
	s17 =	sadd.s32 $0x800, s17;
	(pc) =	sbr.rel @p1 .LBB2_3-.Ltmp3, $4  }
0x45: {  	[tilespmem:s17], [sflag:$0x1] =	stream.indirect_vreg.gather [hbm:s5], $0x80, v1, vm0, $0x38;
	[tilespmem:$0x50A0] =	vst v63  }
0x46: {  	s19 =	sadd.s32 s19, s16;
	s20 =	sadd.s32 $0x400, s17  }
0x47: {  	[tilespmem:s20], [sflag:$0x1] =	stream.indirect_vreg.gather [hbm:s5], $0x80, v1, vm1, $0x38;
	[tilespmem:$0x50A0] =	vst v63  }
0x48: {  	s18 =	sadd.s32 $0x40, s18;
	v1 =	vld.msk [tilespmem:s19+$0x0 ss:$0x1], $0xffff  }
0x49: {  	_ =	sdelay $0x3  }
0x4a: {  	v2 =	vand.u32 $0x1, v1;
	v3 =	vshll.u32 v1, $0x6  }
0x4b: {  	vm2 =	veq.s32 v1, $0x80000000;
	vm3 =	veq.s32 v2, $0x1;
	v1 =	vand.u32 $0x3FFF80, v3  }
0x4c: {  	v2 =	vsel vm3, $0x271000, v0;
	v1 =	vsel vm2, $0xFFFFFF80, v1  }
0x4d: {  	v2 =	vsel vm2, $0xFFD8F000, v2;
	v3 =	vand.u32 $0xFFFFFC00, v1  }
0x4e: {  	v1 =	vand.u32 $0x380, v1;
	v2 =	vadd.s32 v2, v3  }
0x4f: {  	v1 =	vor.u32 v1, v2  }
0x50: {  	v1 =	vshrl.u32 v1, $0x3;
	_ =	sdelay $0x3  }
0x51: {  	s16 =	sadd.s32 $0x800, s17  }
0x52: {  	[tilespmem:s16], [sflag:$0x1] =	stream.indirect_vreg.gather [hbm:s5], $0x80, v1, vm0, $0x38;
	[tilespmem:$0x50A0] =	vst v63  }
0x53: {  	s16 =	sadd.s32 $0x400, s16  }
0x54: {  	[tilespmem:s16], [sflag:$0x1] =	stream.indirect_vreg.gather [hbm:s5], $0x80, v1, vm1, $0x38;
	[tilespmem:$0x50A0] =	vst v63  }
0x55: {  	s13 =	sshll.u32 s13, $0x4;
	_ =	swait.ge [sflag:s6], $0x2800  }
0x56: {  	s13 =	sadd.s32 s13, s9;
	[sflag:s6] =	ssyncset.done $0x0  }
0x57: {  	s17 =	sadd.s32 $0x0, s13;
	s16 =	simm.s32 $0x80;
	[sflag:s6] =	ssyncadd.s32 $0xFFFFD800  }
.LBB2_5:
0x58: {  	[hbm:s17] =	stream.linear.scatter [tilespmem:s14], [sflag:$0x3], $0x400, $0x38;
	[tilespmem:$0x50A0] =	vst v63  }
0x59: {  	s17 =	smov.u32 s16;
	s14 =	smov.u32 s15;
	p1 =	sne.s32 s16, $0x480  }
.Ltmp4:
0x5a: {  	s16 =	sadd.s32 $0x80, s16;
	(pc) =	sbr.rel @p1 .LBB2_5-.Ltmp4, $2  }
0x5b: {  	_ =	sdelay $0x2  }
0x5c: {  	s15 =	sadd.s32 $0x400, s15;
	s17 =	sadd.s32 s17, s13  }
.Ltmp5:
0x5d: {  	_ = 	snop;
	(pc) =	sbr.rel .LBB2_6-.Ltmp5, $1  }
0x5e: {  	_ =	sdelay $0x3  }
.LBB2_8:
0x5f: {  	_ =	sfence.sel $0x180000  }
0x60: {  	s2 =	simm.s32 $0x2;
	[bflag:$0x0] =	sbarrier.arrive $0xFFFF  }
0x61: {  	s30 =	simm.s32 $0x3;
	[sflag:s2] =	ssyncpa.u1 $0x1  }
0x62: {  	s31 =	simm.s32 $0x1;
	[sflag:s30] =	ssyncpa.u1 $0x1  }
0x63: {  	[sflag:s31] =	ssyncpa.u1 $0x1  }
0x64: {  	p0 =	sne.s32 s0, $0x0;
	_ =	strace $0x9000004A  }
0x65: {  	s0 =	sadd.s32 @!p0 $0x100000, s1;
	[bflag:$0x2] =	sbarrier.arrive $0xFFFF  }
0x66: {  	[sflag:s0] =	ssyncadd.tile.s32 @!p0 $0x1;
	_ =	shalt  }
.Lfunc_end2:
_tile_overlayer_lowered:
.L_overlay_start_2:
0x67: {  	(tag) =	ssettag $0x2  }
0x68: {  	s0 =	rddreg [dreg:$0x0];
	s2 =	stileid.u32  }
0x69: {  	s1 =	rddreg [dreg:$0x1];
	p0 =	sne.s32 s2, $0x0  }
0x6a: {  	s3 =	rddreg [dreg:$0x2];
	[bflag:$0x3] =	sbarrier.arrive $0xFFFF;
	s2 =	simm.s32 @!p0 $0x1C01  }
0x6b: {  	[timem:s3], [sflag:s2] =	dma.local @!p0 [hbm:s0], s1  }
0x6c: {  	s0 =	simm.s32 @!p0 $0x1  }
0x6d: {  	_ =	swait.ge @!p0 [sflag:s0], s1  }
0x6e: {  	s1 =	ssub.s32 @!p0 $0x0, s1;
	[sflag:s0] =	ssyncset.done @!p0 $0x0  }
0x6f: {  	[sflag:s0] =	ssyncadd.s32 @!p0 s1  }
0x70: {  	[bflag:$0x3] =	sbarrier.arrive $0xFFFF  }
0x71: {  	_ =	shalt  }

// kernel: gather_offload_async_start.2
scs
__scs_entry_jumppad:
0x0: {  	(pc) =	sbr.rel $0x88, $3  }
0x1: {  	(tag) =	ssettag $0x0;
	lr =	simm.s32 $0x1  }
0x2: {  	[smem:$0x3F9C] =	sst lr;
	_ =	strace $0xD0000000  }
0x3: {  	_ = 	snop  }
0x4: {  	_ = 	snop  }
0x5: {  	_ = 	snop  }
0x6: {  	_ = 	snop  }
0x7: {  	_ = 	snop  }
__scs_overlays_trampoline_lowered:
0x8: {  	[smem:$0x3FAB] =	sst s0  }
0x9: {  	[smem:$0x3FAC] =	sst s1  }
0xa: {  	[smem:$0x3FAD] =	sst s2  }
0xb: {  	[smem:$0x3FAE] =	sst s3  }
0xc: {  	[smem:$0x3FAF] =	sst s4  }
0xd: {  	[smem:$0x3FB0] =	sst s5  }
0xe: {  	[smem:$0x3FB1] =	sst s6  }
0xf: {  	[smem:$0x3FB2] =	sst s7  }
0x10: {  	[smem:$0x3FB3] =	sst s8  }
0x11: {  	[smem:$0x3FB4] =	sst s9;
	s0 =	simm.s32 @!p0 $0x0  }
0x12: {  	s1 =	sld [smem:$0x3F9A];
	s0 =	simm.s32 @p0 $0x1  }
0x13: {  	[smem:$0x3FB5] =	sst s0;
	s0 =	simm.s32 @!p1 $0x0  }
0x14: {  	s2 =	sld [smem:$0x3F99];
	s0 =	simm.s32 @p1 $0x1  }
0x15: {  	[smem:$0x3FB6] =	sst s0;
	s0 =	simm.s32 @!p2 $0x0  }
0x16: {  	s3 =	sld [smem:$0x3FDB];
	s0 =	simm.s32 @p2 $0x1  }
0x17: {  	s4 =	simm.s32 $0x1BF5;
	[smem:$0x3FB8] =	sst s0  }
0x18: {  	s0 =	sld [smem:$0x3F9B];
	_ =	swait.ge [sflag:s4], $0x0  }
0x19: {  	s7 =	sld [smem:$0x3F9C]  }
0x1a: {  	s8 =	sadd.s32 $0xFFFFE003, lr  }
0x1b: {  	s9 =	sadd.s32 $0xFFFFFEF7, lr;
	s5 =	simm.s32 $0xFFFFFFFF;
	p2 =	slt.u32 s8, $0xFFFFF086  }
0x1c: {  	p1 =	slt.u32 s9, $0xF7A;
	s5 =	simm.s32 @!p2 $0x0  }
0x1d: {  	s5 =	simm.s32 @p1 $0x1;
	p0 =	seq.s32 s7, s2  }
0x1e: {  	s7 =	smul.u32 @!p0 $0xF7A, s2;
	p2 =	seq.s32 @!p0 s5, $0x0  }
0x1f: {  	s9 =	smul.u32 $0xF7A, s1;
	s8 =	simm.s32 @!p0 $0x1BF5;
	p2 =	por !p2, p0  }
0x20: {  	[sflag:s8] =	ssyncset.s32 @!p0 $0xFFFFF086;
	s6 =	sadd.s32 @!p0 s3, s7;
	s7 =	simm.s32 @!p0 $0x108  }
0x21: {  	s3 =	sadd.s32 s3, s9;
	s6 =	sadd.s32 @!p0 $0x88, s6;
	s7 =	simm.s32 @p2 $0x1082  }
0x22: {  	[simem:s7], [sflag:s8] =	dma.local @!p0 [hbm:s6], $0xF7A  }
0x23: {  	s9 =	sor.u32 $0xD0000000, s2;
	s6 =	simm.s32 $0x108;
	_ =	swait.ge @!p0 [sflag:s8], $0x0  }
0x24: {  	s3 =	sadd.s32 $0x88, s3;
	s6 =	simm.s32 @!p1 $0x1082;
	[sflag:s4] =	ssyncset.s32 $0xFFFFF086  }
0x25: {  	[simem:s6], [sflag:s4] =	dma.local [hbm:s3], $0xF7A  }
0x26: {  	[smem:$0x3F9C] =	sst s1;
	(tag) =	ssettag s2;
	_ =	strace s9  }
0x27: {  	s1 =	sld [smem:$0x3FAC]  }
0x28: {  	s2 =	sld [smem:$0x3FAD]  }
0x29: {  	s4 =	sld [smem:$0x3FAF]  }
0x2a: {  	p0 =	seq.s32 s5, $0x0;
	s5 =	sld [smem:$0x3FB0]  }
0x2b: {  	s6 =	sld [smem:$0x3FB1]  }
0x2c: {  	s7 =	sld [smem:$0x3FB2]  }
0x2d: {  	s3 =	simm.s32 $0x108;
	s8 =	sld [smem:$0x3FB3]  }
0x2e: {  	s3 =	simm.s32 @!p0 $0x1082;
	s9 =	sld [smem:$0x3FB4]  }
0x2f: {  	lr =	sadd.s32 s0, s3;
	s0 =	sld [smem:$0x3FAB]  }
0x30: {  	s3 =	sld [smem:$0x3FAE]  }
0x31: {  	[smem:$0x3FB7] =	sst s10  }
0x32: {  	s10 =	sld [smem:$0x3FB5];
	_ =	sdelay $0x3  }
0x33: {  	p0 =	seq.s32 s10, $0x1;
	s10 =	sld [smem:$0x3FB7];
	_ =	sdelay $0x3  }
0x34: {  	[smem:$0x3FB7] =	sst s10  }
0x35: {  	s10 =	sld [smem:$0x3FB6];
	_ =	sdelay $0x3  }
0x36: {  	p1 =	seq.s32 s10, $0x1;
	s10 =	sld [smem:$0x3FB7];
	_ =	sdelay $0x3  }
0x37: {  	[smem:$0x3FB7] =	sst s10  }
0x38: {  	s10 =	sld [smem:$0x3FB8]  }
0x39: {  	_ = 	snop;
	(pc) =	sbr.ind lr, $3  }
0x3a: {  	_ = 	snop  }
0x3b: {  	_ = 	snop  }
0x3c: {  	p2 =	seq.s32 s10, $0x1;
	s10 =	sld [smem:$0x3FB7]  }
0x3d: {  	_ =	shalt  }
0x3e: {  	_ =	shalt  }
0x3f: {  	_ =	shalt  }
0x40: {  	_ =	shalt  }
0x41: {  	_ =	shalt  }
0x42: {  	_ =	shalt  }
0x43: {  	_ =	shalt  }
0x44: {  	_ =	shalt  }
0x45: {  	_ =	shalt  }
0x46: {  	_ =	shalt  }
0x47: {  	_ =	shalt  }
0x48: {  	_ =	shalt  }
0x49: {  	_ =	shalt  }
0x4a: {  	_ =	shalt  }
0x4b: {  	_ =	shalt  }
0x4c: {  	_ =	shalt  }
0x4d: {  	_ =	shalt  }
0x4e: {  	_ =	shalt  }
0x4f: {  	_ =	shalt  }
0x50: {  	_ =	shalt  }
0x51: {  	_ =	shalt  }
0x52: {  	_ =	shalt  }
0x53: {  	_ =	shalt  }
0x54: {  	_ =	shalt  }
0x55: {  	_ =	shalt  }
0x56: {  	_ =	shalt  }
0x57: {  	_ =	shalt  }
0x58: {  	_ =	shalt  }
0x59: {  	_ =	shalt  }
0x5a: {  	_ =	shalt  }
0x5b: {  	_ =	shalt  }
0x5c: {  	_ =	shalt  }
0x5d: {  	_ =	shalt  }
0x5e: {  	_ =	shalt  }
0x5f: {  	_ =	shalt  }
0x60: {  	_ =	shalt  }
0x61: {  	_ =	shalt  }
0x62: {  	_ =	shalt  }
0x63: {  	_ =	shalt  }
0x64: {  	_ =	shalt  }
0x65: {  	_ =	shalt  }
0x66: {  	_ =	shalt  }
0x67: {  	_ =	shalt  }
0x68: {  	_ =	shalt  }
0x69: {  	_ =	shalt  }
0x6a: {  	_ =	shalt  }
0x6b: {  	_ =	shalt  }
0x6c: {  	_ =	shalt  }
0x6d: {  	_ =	shalt  }
0x6e: {  	_ =	shalt  }
0x6f: {  	_ =	shalt  }
0x70: {  	_ =	shalt  }
0x71: {  	_ =	shalt  }
0x72: {  	_ =	shalt  }
0x73: {  	_ =	shalt  }
0x74: {  	_ =	shalt  }
0x75: {  	_ =	shalt  }
0x76: {  	_ =	shalt  }
0x77: {  	_ =	shalt  }
0x78: {  	_ =	shalt  }
0x79: {  	_ =	shalt  }
0x7a: {  	_ =	shalt  }
0x7b: {  	_ =	shalt  }
0x7c: {  	_ =	shalt  }
0x7d: {  	_ =	shalt  }
0x7e: {  	_ =	shalt  }
0x7f: {  	_ =	shalt  }
0x80: {  	_ =	shalt  }
0x81: {  	_ =	shalt  }
0x82: {  	_ =	shalt  }
0x83: {  	_ =	shalt  }
0x84: {  	_ =	shalt  }
0x85: {  	_ =	shalt  }
0x86: {  	_ =	shalt  }
0x87: {  	_ =	shalt  }
.Lfunc_end0:
.L_simem_size_0:
called_computation.2_lowered:
.L_overlay_start_0:
0x88: {  	s0 =	sld [smem:$0x3FD9]  }
0x89: {  	s1 =	sld [smem:$0x3FFE];
	_ =	sdelay $0x3  }
0x8a: {  	s0 =	sadd.s32 s1, s0  }
0x8b: {  	[smem:$0x3FC3] =	sst s0  }
0x8c: {  	_ = 	snop  }
0x8d: {  	(tm) =	ssettm $0x1  }
0x8e: {  	s15 =	sld [smem:$0x3FFB];
	_ =	sdelay $0x3  }
0x8f: {  	_ =	strace s15  }
0x90: {  	s0 =	sld [smem:$0x3FFC];
	_ =	sdelay $0x3  }
0x91: {  	_ =	strace s0  }
0x92: {  	s0 =	sld [smem:$0x3FFD];
	_ =	sdelay $0x3  }
0x93: {  	_ =	strace s0  }
0x94: {  	_ =	strace $0x8FFFFFFF  }
0x95: {  	s16 =	sld [smem:$0x3FDB];
	_ =	sdelay $0x1  }
0x96: {  	s17 =	simm.s32 $_scs_section_size  }
0x97: {  	s2 =	simm.s32 $_size__tile_overlayer_lowered;
	s3 =	simm.s32 $_tile_overlayer_lowered  }
0x98: {  	s20 =	simm.s32 $0x1BFF;
	s19 =	sshll.u32 s3, $0x1;
	s0 =	sadd.s32 s17, s16  }
0x99: {  	s4 =	simm.s32 $0x0;
	s18 =	sshll.u32 s2, $0x1;
	s2 =	sadd.s32 s19, s0  }
0x9a: {  	[timem:s4], [sflag:s20] =	dma.local [hbm:s2], s18  }
0x9b: {  	_ =	swait.ge [sflag:s20], s18  }
0x9c: {  	s1 =	ssub.s32 $0x0, s18;
	[sflag:s20] =	ssyncset.done $0x0  }
0x9d: {  	[sflag:s20] =	ssyncadd.s32 s1;
	_ =	sdelay $0x1  }
0x9e: {  	s21 =	simm.s32 $0x1B8B  }
0x9f: {  	_ =	swait.ge [sflag:s21], $0x1  }
0xa0: {  	[sflag:s21] =	ssyncset.done $0x0  }
0xa1: {  	s23 =	simm.s32 $0x1B8E;
	s22 =	sld [smem:$0x3FFE];
	[sflag:s21] =	ssyncadd.s32 $0xFFFFFFFF  }
0xa2: {  	s24 =	simm.s32 $execute0_lowered;
	[smem:$0x3FD2] =	sst s23  }
0xa3: {  	s2 =	sshll.u32 s24, $0x1;
	_ =	strace $0x80000046;
	[dreg:$0x1] =	wrdreg $0xFFFFFFFF  }
0xa4: {  	s25 =	simm.s32 $_size_execute0_lowered;
	s0 =	sadd.s32 s0, s2;
	[dreg:$0x0] =	wrdreg $0x0  }
0xa5: {  	s2 =	sshll.u32 s25, $0x1;
	[dreg:$0x2] =	wrdreg s0  }
0xa6: {  	[dreg:$0x3] =	wrdreg s2  }
0xa7: {  	[dreg:$0x4] =	wrdreg $0xC0  }
0xa8: {  	_ =	task [dreg:s4], $0x5FFFF  }
0xa9: {  	[dreg:$0x1] =	wrdreg $0xFFFFFFFF  }
0xaa: {  	[dreg:$0x0] =	wrdreg $0x60  }
0xab: {  	[dreg:$0x2] =	wrdreg s22  }
0xac: {  	[dreg:$0x3] =	wrdreg $0xA  }
0xad: {  	_ =	task.clear_ibuf [dreg:s4], $0x4FFFF;
	_ =	strace $0x90000046  }
0xae: {  	s26 =	simm.s32 $0xA;
	_ =	strace $0x80000048  }
0xaf: {  	_ =	swait.ge [sflag:s26], $0x1  }
0xb0: {  	[sflag:s26] =	ssyncadd.s32 $0xFFFFFFFF  }
0xb1: {  	_ =	strace $0x90000048  }
0xb2: {  	_ =	sfence  }
0xb3: {  	s28 =	sld [smem:$0x0];
	_ =	sdelay $0x1  }
0xb4: {  	s29 =	srdreg.scid  }
0xb5: {  	s30 =	sshll.u32 s29, $0xD;
	s31 =	sshrl.u32 s29, $0x2  }
0xb6: {  	s1 =	sand.u32 $0x1, s29;
	s2 =	sand.u32 $0x4000, s30;
	s0 =	sadd.s32 s31, s28  }
0xb7: {  	s1 =	sor.u32 s2, s1;
	s0 =	sshll.u32 s0, $0x11  }
0xb8: {  	s0 =	sor.u32 s0, s1  }
0xb9: {  	s0 =	sadd.s32 $0x8F2B, s0  }
0xba: {  	[sflag:s0] =	ssyncadd.remote.s32 $0x1  }
0xbb: {  	_ =	sfence.sel $0xFFFF  }
0xbc: {  	[dreg:$0x0] =	wrdreg $0xFFFFFFFF;
	(pc) =	sbr.abs _section_cstart, $3  }
0xbd: {  	[dreg:$0x1] =	wrdreg $0xFFFFFFFF  }
0xbe: {  	_ =	task.clear_ibuf [dreg:s4], $0x2FFFF;
	_ =	strace $0x9FFFFFFF  }
0xbf: {  	(tm) =	ssettm $0x7FFFFFFF  }
tec
execute0_lowered:
.L_overlay_start_1:
0x0: {  	(tag) =	ssettag $0x1  }
0x1: {  	s0 =	stileid.u32  }
0x2: {  	s1 =	smin.u32 s0, $0x9  }
0x3: {  	s1 =	sadd.s32 s0, s1  }
0x4: {  	p0 =	slt.u32 s0, $0x9;
	s2 =	smul.u32 $0x50, s1;
	s1 =	simm.s32 $0xA0  }
0x5: {  	s1 =	simm.s32 @!p0 $0x50  }
0x6: {  	s1 =	sadd.s32 s1, s2  }
0x7: {  	s3 =	smin.u32 s1, $0x7D0  }
0x8: {  	s7 =	ssub.s32 s3, s2  }
0x9: {  	p0 =	sgt.s32 s7, $0x0  }
0xa: {  	s7 =	simm.s32 @!p0 $0x0  }
0xb: {  	s31 =	smul.u32 $0xCCCD, s7  }
0xc: {  	s4 =	rddreg [dreg:$0x0];
	s6 =	simm.s32 $0x1  }
0xd: {  	s10 =	simm.s32 $0x3;
	s13 =	simm.s32 $0x0;
	s8 =	sshrl.u32 s31, $0x16  }
0xe: {  	s12 =	simm.s32 $0x0;
	s5 =	sadd.s32 $0x200, s4;
	s9 =	smul.u32 $0x50, s8  }
.Ltmp0:
0xf: {  	s11 =	smov.u32 s2;
	s1 =	rddreg [dreg:$0x1];
	(pc) =	sbr.rel .LBB2_1-.Ltmp0, $4  }
0x10: {  	_ =	strace $0x80000047;
	p0 =	sne.s32 s7, s9;
	s9 =	simm.s32 $0x1  }
0x11: {  	[sflag:s6] =	ssyncpa.u1 $0x0;
	s7 =	simm.s32 $0x2;
	s9 =	simm.s32 @!p0 $0x0  }
0x12: {  	[sflag:s7] =	ssyncpa.u1 $0x0;
	p0 =	por $0x0, $0x0;
	s8 =	sadd.s32 s8, s9  }
0x13: {  	v0 =	vimm.s32 $0x0;
	vm0 =	vmmov $0xff;
	vm1 =	vcmask $0x3F20;
	s9 =	sadd.s32 $0x9C800, s4;
	[sflag:s10] =	ssyncpa.u1 $0x0;
	s10 =	sadd.s32 $0x1, s8  }
.LBB2_6:
0x14: {  	[hbm:s17] =	stream.linear.scatter [tilespmem:s14], [sflag:$0x3], $0x400, $0x38;
	[tilespmem:$0x50A0] =	vst v63  }
.LBB2_7:
0x15: {  	s13 =	sadd.s32 $0x50, s11  }
0x16: {  	s15 =	smov.u32 s2;
	p2 =	slt.s32 s13, s3  }
0x17: {  	s15 =	smov.u32 @p2 s13;
	p2 =	sne.s32 s12, s10  }
.Ltmp1:
0x18: {  	p1 =	slt.u32 s12, $0x2;
	(pc) =	sbr.rel @!p2 .LBB2_8-.Ltmp1, $4  }
0x19: {  	s14 =	simm.s32 @!p1 $0x3  }
0x1a: {  	s16 =	sadd.s32 $0x1, s12;
	_ =	swait.ge @!p1 [sflag:s14], $0x2800  }
0x1b: {  	p0 =	por !p0, !p0;
	s13 =	smov.u32 s11;
	[sflag:s14] =	ssyncset.done @!p1 $0x0  }
0x1c: {  	s12 =	smov.u32 s16;
	s11 =	smov.u32 s15;
	[sflag:s14] =	ssyncadd.s32 @!p1 $0xFFFFD800  }
.LBB2_1:
0x1d: {  	p1 =	sge.u32 s12, s8  }
0x1e: {  	s14 =	sxor.u32 @!p1 $0xFFFFFFFF, s12  }
0x1f: {  	s14 =	sand.u32 @!p1 $0x1, s14  }
0x20: {  	s14 =	smul.u32 @!p1 $0x140, s14  }
0x21: {  	s31 =	sadd.s32 $0xFFFFFFFF, s12;
	s15 =	sshrl.u32 @!p1 s11, $0x3  }
0x22: {  	s16 =	sand.u32 @!p1 $0x7, s11;
	s15 =	sadd.s32 @!p1 s4, s15;
	s14 =	sshrl.u32 @!p1 s14, $0x2  }
0x23: {  	[tilespmem:s14], [sflag:$0x2] =	stream.linear.gather @!p1 [hbm4b:s15+s16], $0x50, $0x38;
	[tilespmem:$0x50A0] =	vst v63  }
0x24: {  	p1 =	sge.u32 s31, s8  }
.Ltmp2:
0x25: {  	_ = 	snop;
	(pc) =	sbr.rel @p1 .LBB2_7-.Ltmp2, $1  }
0x26: {  	_ =	sdelay $0x3  }
0x27: {  	s14 =	simm.s32 $0x1  }
0x28: {  	s14 =	simm.s32 @!p0 $0x0  }
0x29: {  	s15 =	smul.u32 $0x140, s14  }
0x2a: {  	_ =	swait.ge [sflag:s7], $0x50  }
0x2b: {  	[sflag:s7] =	ssyncset.done $0x0;
	s16 =	sshrl.u32 s15, $0x2  }
0x2c: {  	[sflag:s7] =	ssyncadd.s32 $0xFFFFFFB0;
	s15 =	sadd.s32 $0x0, s16  }
0x2d: {  	v1 =	vld.msk [tilespmem:s15+$0x0 ss:$0x1], $0xffff;
	_ =	sdelay $0x4  }
0x2e: {  	v2 =	vand.u32 $0x1, v1;
	v3 =	vshll.u32 v1, $0x6  }
0x2f: {  	vm2 =	veq.s32 v1, $0x80000000;
	vm3 =	veq.s32 v2, $0x1;
	v1 =	vand.u32 $0x3FFF80, v3  }
0x30: {  	v2 =	vsel vm3, $0x271000, v0;
	v1 =	vsel vm2, $0xFFFFFF80, v1  }
0x31: {  	v2 =	vsel vm2, $0xFFD8F000, v2;
	v3 =	vand.u32 $0xFFFFFC00, v1  }
0x32: {  	v1 =	vand.u32 $0x380, v1;
	v2 =	vadd.s32 v2, v3  }
0x33: {  	v1 =	vor.u32 v1, v2  }
0x34: {  	v1 =	vshrl.u32 v1, $0x3  }
0x35: {  	s14 =	smul.u32 $0xA000, s14;
	_ =	sdelay $0x1  }
0x36: {  	s14 =	sshrl.u32 s14, $0x2  }
0x37: {  	s14 =	sor.u32 $0xA0, s14  }
0x38: {  	[tilespmem:s14], [sflag:$0x1] =	stream.indirect_vreg.gather [hbm:s5], $0x80, v1, vm0, $0x38;
	[tilespmem:$0x50A0] =	vst v63  }
0x39: {  	s17 =	sadd.s32 $0x10, s16;
	s15 =	sadd.s32 $0x400, s14  }
0x3a: {  	[tilespmem:s15], [sflag:$0x1] =	stream.indirect_vreg.gather [hbm:s5], $0x80, v1, vm1, $0x38;
	[tilespmem:$0x50A0] =	vst v63  }
0x3b: {  	s18 =	simm.s32 $0x80;
	v1 =	vld.msk [tilespmem:s17+$0x0 ss:$0x1], $0xffff;
	s17 =	smov.u32 s14  }
.LBB2_3:
0x3c: {  	p1 =	sne.s32 s18, $0x100;
	_ =	sdelay $0x4  }
0x3d: {  	v2 =	vand.u32 $0x1, v1;
	v3 =	vshll.u32 v1, $0x6  }
0x3e: {  	vm2 =	veq.s32 v1, $0x80000000;
	vm3 =	veq.s32 v2, $0x1;
	v1 =	vand.u32 $0x3FFF80, v3  }
0x3f: {  	v2 =	vsel vm3, $0x271000, v0;
	v1 =	vsel vm2, $0xFFFFFF80, v1  }
0x40: {  	v2 =	vsel vm2, $0xFFD8F000, v2;
	v3 =	vand.u32 $0xFFFFFC00, v1  }
0x41: {  	v1 =	vand.u32 $0x380, v1;
	v2 =	vadd.s32 v2, v3  }
0x42: {  	v1 =	vor.u32 v1, v2  }
0x43: {  	v1 =	vshrl.u32 v1, $0x3;
	_ =	sdelay $0x3  }
.Ltmp3:
0x44: {  	s19 =	sshra.s32 s18, $0x2;
	s17 =	sadd.s32 $0x800, s17;
	(pc) =	sbr.rel @p1 .LBB2_3-.Ltmp3, $4  }
0x45: {  	[tilespmem:s17], [sflag:$0x1] =	stream.indirect_vreg.gather [hbm:s5], $0x80, v1, vm0, $0x38;
	[tilespmem:$0x50A0] =	vst v63  }
0x46: {  	s19 =	sadd.s32 s19, s16;
	s20 =	sadd.s32 $0x400, s17  }
0x47: {  	[tilespmem:s20], [sflag:$0x1] =	stream.indirect_vreg.gather [hbm:s5], $0x80, v1, vm1, $0x38;
	[tilespmem:$0x50A0] =	vst v63  }
0x48: {  	s18 =	sadd.s32 $0x40, s18;
	v1 =	vld.msk [tilespmem:s19+$0x0 ss:$0x1], $0xffff  }
0x49: {  	_ =	sdelay $0x3  }
0x4a: {  	v2 =	vand.u32 $0x1, v1;
	v3 =	vshll.u32 v1, $0x6  }
0x4b: {  	vm2 =	veq.s32 v1, $0x80000000;
	vm3 =	veq.s32 v2, $0x1;
	v1 =	vand.u32 $0x3FFF80, v3  }
0x4c: {  	v2 =	vsel vm3, $0x271000, v0;
	v1 =	vsel vm2, $0xFFFFFF80, v1  }
0x4d: {  	v2 =	vsel vm2, $0xFFD8F000, v2;
	v3 =	vand.u32 $0xFFFFFC00, v1  }
0x4e: {  	v1 =	vand.u32 $0x380, v1;
	v2 =	vadd.s32 v2, v3  }
0x4f: {  	v1 =	vor.u32 v1, v2  }
0x50: {  	v1 =	vshrl.u32 v1, $0x3;
	_ =	sdelay $0x3  }
0x51: {  	s16 =	sadd.s32 $0x800, s17  }
0x52: {  	[tilespmem:s16], [sflag:$0x1] =	stream.indirect_vreg.gather [hbm:s5], $0x80, v1, vm0, $0x38;
	[tilespmem:$0x50A0] =	vst v63  }
0x53: {  	s16 =	sadd.s32 $0x400, s16  }
0x54: {  	[tilespmem:s16], [sflag:$0x1] =	stream.indirect_vreg.gather [hbm:s5], $0x80, v1, vm1, $0x38;
	[tilespmem:$0x50A0] =	vst v63  }
0x55: {  	s13 =	sshll.u32 s13, $0x4;
	_ =	swait.ge [sflag:s6], $0x2800  }
0x56: {  	s13 =	sadd.s32 s13, s9;
	[sflag:s6] =	ssyncset.done $0x0  }
0x57: {  	s17 =	sadd.s32 $0x0, s13;
	s16 =	simm.s32 $0x80;
	[sflag:s6] =	ssyncadd.s32 $0xFFFFD800  }
.LBB2_5:
0x58: {  	[hbm:s17] =	stream.linear.scatter [tilespmem:s14], [sflag:$0x3], $0x400, $0x38;
	[tilespmem:$0x50A0] =	vst v63  }
0x59: {  	s17 =	smov.u32 s16;
	s14 =	smov.u32 s15;
	p1 =	sne.s32 s16, $0x480  }
.Ltmp4:
0x5a: {  	s16 =	sadd.s32 $0x80, s16;
	(pc) =	sbr.rel @p1 .LBB2_5-.Ltmp4, $2  }
0x5b: {  	_ =	sdelay $0x2  }
0x5c: {  	s15 =	sadd.s32 $0x400, s15;
	s17 =	sadd.s32 s17, s13  }
.Ltmp5:
0x5d: {  	_ = 	snop;
	(pc) =	sbr.rel .LBB2_6-.Ltmp5, $1  }
0x5e: {  	_ =	sdelay $0x3  }
.LBB2_8:
0x5f: {  	_ =	sfence.sel $0x180000  }
0x60: {  	s2 =	simm.s32 $0x2;
	[bflag:$0x0] =	sbarrier.arrive $0xFFFF  }
0x61: {  	s30 =	simm.s32 $0x3;
	[sflag:s2] =	ssyncpa.u1 $0x1  }
0x62: {  	s31 =	simm.s32 $0x1;
	[sflag:s30] =	ssyncpa.u1 $0x1  }
0x63: {  	[sflag:s31] =	ssyncpa.u1 $0x1  }
0x64: {  	p0 =	sne.s32 s0, $0x0;
	_ =	strace $0x90000047  }
0x65: {  	s0 =	sadd.s32 @!p0 $0x100000, s1;
	[bflag:$0x2] =	sbarrier.arrive $0xFFFF  }
0x66: {  	[sflag:s0] =	ssyncadd.tile.s32 @!p0 $0x1;
	_ =	shalt  }
.Lfunc_end2:
_tile_overlayer_lowered:
.L_overlay_start_2:
0x67: {  	(tag) =	ssettag $0x2  }
0x68: {  	s0 =	rddreg [dreg:$0x0];
	s2 =	stileid.u32  }
0x69: {  	s1 =	rddreg [dreg:$0x1];
	p0 =	sne.s32 s2, $0x0  }
0x6a: {  	s3 =	rddreg [dreg:$0x2];
	[bflag:$0x3] =	sbarrier.arrive $0xFFFF;
	s2 =	simm.s32 @!p0 $0x1C01  }
0x6b: {  	[timem:s3], [sflag:s2] =	dma.local @!p0 [hbm:s0], s1  }
0x6c: {  	s0 =	simm.s32 @!p0 $0x1  }
0x6d: {  	_ =	swait.ge @!p0 [sflag:s0], s1  }
0x6e: {  	s1 =	ssub.s32 @!p0 $0x0, s1;
	[sflag:s0] =	ssyncset.done @!p0 $0x0  }
0x6f: {  	[sflag:s0] =	ssyncadd.s32 @!p0 s1  }
0x70: {  	[bflag:$0x3] =	sbarrier.arrive $0xFFFF  }
0x71: {  	_ =	shalt  }

// kernel: gather_offload_async_start
scs
__scs_entry_jumppad:
0x0: {  	(pc) =	sbr.rel $0x88, $3  }
0x1: {  	(tag) =	ssettag $0x0;
	lr =	simm.s32 $0x1  }
0x2: {  	[smem:$0x3F9C] =	sst lr;
	_ =	strace $0xD0000000  }
0x3: {  	_ = 	snop  }
0x4: {  	_ = 	snop  }
0x5: {  	_ = 	snop  }
0x6: {  	_ = 	snop  }
0x7: {  	_ = 	snop  }
__scs_overlays_trampoline_lowered:
0x8: {  	[smem:$0x3FAB] =	sst s0  }
0x9: {  	[smem:$0x3FAC] =	sst s1  }
0xa: {  	[smem:$0x3FAD] =	sst s2  }
0xb: {  	[smem:$0x3FAE] =	sst s3  }
0xc: {  	[smem:$0x3FAF] =	sst s4  }
0xd: {  	[smem:$0x3FB0] =	sst s5  }
0xe: {  	[smem:$0x3FB1] =	sst s6  }
0xf: {  	[smem:$0x3FB2] =	sst s7  }
0x10: {  	[smem:$0x3FB3] =	sst s8  }
0x11: {  	[smem:$0x3FB4] =	sst s9;
	s0 =	simm.s32 @!p0 $0x0  }
0x12: {  	s1 =	sld [smem:$0x3F9A];
	s0 =	simm.s32 @p0 $0x1  }
0x13: {  	[smem:$0x3FB5] =	sst s0;
	s0 =	simm.s32 @!p1 $0x0  }
0x14: {  	s2 =	sld [smem:$0x3F99];
	s0 =	simm.s32 @p1 $0x1  }
0x15: {  	[smem:$0x3FB6] =	sst s0;
	s0 =	simm.s32 @!p2 $0x0  }
0x16: {  	s3 =	sld [smem:$0x3FDB];
	s0 =	simm.s32 @p2 $0x1  }
0x17: {  	s4 =	simm.s32 $0x1BF5;
	[smem:$0x3FB8] =	sst s0  }
0x18: {  	s0 =	sld [smem:$0x3F9B];
	_ =	swait.ge [sflag:s4], $0x0  }
0x19: {  	s7 =	sld [smem:$0x3F9C]  }
0x1a: {  	s8 =	sadd.s32 $0xFFFFE003, lr  }
0x1b: {  	s9 =	sadd.s32 $0xFFFFFEF7, lr;
	s5 =	simm.s32 $0xFFFFFFFF;
	p2 =	slt.u32 s8, $0xFFFFF086  }
0x1c: {  	p1 =	slt.u32 s9, $0xF7A;
	s5 =	simm.s32 @!p2 $0x0  }
0x1d: {  	s5 =	simm.s32 @p1 $0x1;
	p0 =	seq.s32 s7, s2  }
0x1e: {  	s7 =	smul.u32 @!p0 $0xF7A, s2;
	p2 =	seq.s32 @!p0 s5, $0x0  }
0x1f: {  	s9 =	smul.u32 $0xF7A, s1;
	s8 =	simm.s32 @!p0 $0x1BF5;
	p2 =	por !p2, p0  }
0x20: {  	[sflag:s8] =	ssyncset.s32 @!p0 $0xFFFFF086;
	s6 =	sadd.s32 @!p0 s3, s7;
	s7 =	simm.s32 @!p0 $0x108  }
0x21: {  	s3 =	sadd.s32 s3, s9;
	s6 =	sadd.s32 @!p0 $0x88, s6;
	s7 =	simm.s32 @p2 $0x1082  }
0x22: {  	[simem:s7], [sflag:s8] =	dma.local @!p0 [hbm:s6], $0xF7A  }
0x23: {  	s9 =	sor.u32 $0xD0000000, s2;
	s6 =	simm.s32 $0x108;
	_ =	swait.ge @!p0 [sflag:s8], $0x0  }
0x24: {  	s3 =	sadd.s32 $0x88, s3;
	s6 =	simm.s32 @!p1 $0x1082;
	[sflag:s4] =	ssyncset.s32 $0xFFFFF086  }
0x25: {  	[simem:s6], [sflag:s4] =	dma.local [hbm:s3], $0xF7A  }
0x26: {  	[smem:$0x3F9C] =	sst s1;
	(tag) =	ssettag s2;
	_ =	strace s9  }
0x27: {  	s1 =	sld [smem:$0x3FAC]  }
0x28: {  	s2 =	sld [smem:$0x3FAD]  }
0x29: {  	s4 =	sld [smem:$0x3FAF]  }
0x2a: {  	p0 =	seq.s32 s5, $0x0;
	s5 =	sld [smem:$0x3FB0]  }
0x2b: {  	s6 =	sld [smem:$0x3FB1]  }
0x2c: {  	s7 =	sld [smem:$0x3FB2]  }
0x2d: {  	s3 =	simm.s32 $0x108;
	s8 =	sld [smem:$0x3FB3]  }
0x2e: {  	s3 =	simm.s32 @!p0 $0x1082;
	s9 =	sld [smem:$0x3FB4]  }
0x2f: {  	lr =	sadd.s32 s0, s3;
	s0 =	sld [smem:$0x3FAB]  }
0x30: {  	s3 =	sld [smem:$0x3FAE]  }
0x31: {  	[smem:$0x3FB7] =	sst s10  }
0x32: {  	s10 =	sld [smem:$0x3FB5];
	_ =	sdelay $0x3  }
0x33: {  	p0 =	seq.s32 s10, $0x1;
	s10 =	sld [smem:$0x3FB7];
	_ =	sdelay $0x3  }
0x34: {  	[smem:$0x3FB7] =	sst s10  }
0x35: {  	s10 =	sld [smem:$0x3FB6];
	_ =	sdelay $0x3  }
0x36: {  	p1 =	seq.s32 s10, $0x1;
	s10 =	sld [smem:$0x3FB7];
	_ =	sdelay $0x3  }
0x37: {  	[smem:$0x3FB7] =	sst s10  }
0x38: {  	s10 =	sld [smem:$0x3FB8]  }
0x39: {  	_ = 	snop;
	(pc) =	sbr.ind lr, $3  }
0x3a: {  	_ = 	snop  }
0x3b: {  	_ = 	snop  }
0x3c: {  	p2 =	seq.s32 s10, $0x1;
	s10 =	sld [smem:$0x3FB7]  }
0x3d: {  	_ =	shalt  }
0x3e: {  	_ =	shalt  }
0x3f: {  	_ =	shalt  }
0x40: {  	_ =	shalt  }
0x41: {  	_ =	shalt  }
0x42: {  	_ =	shalt  }
0x43: {  	_ =	shalt  }
0x44: {  	_ =	shalt  }
0x45: {  	_ =	shalt  }
0x46: {  	_ =	shalt  }
0x47: {  	_ =	shalt  }
0x48: {  	_ =	shalt  }
0x49: {  	_ =	shalt  }
0x4a: {  	_ =	shalt  }
0x4b: {  	_ =	shalt  }
0x4c: {  	_ =	shalt  }
0x4d: {  	_ =	shalt  }
0x4e: {  	_ =	shalt  }
0x4f: {  	_ =	shalt  }
0x50: {  	_ =	shalt  }
0x51: {  	_ =	shalt  }
0x52: {  	_ =	shalt  }
0x53: {  	_ =	shalt  }
0x54: {  	_ =	shalt  }
0x55: {  	_ =	shalt  }
0x56: {  	_ =	shalt  }
0x57: {  	_ =	shalt  }
0x58: {  	_ =	shalt  }
0x59: {  	_ =	shalt  }
0x5a: {  	_ =	shalt  }
0x5b: {  	_ =	shalt  }
0x5c: {  	_ =	shalt  }
0x5d: {  	_ =	shalt  }
0x5e: {  	_ =	shalt  }
0x5f: {  	_ =	shalt  }
0x60: {  	_ =	shalt  }
0x61: {  	_ =	shalt  }
0x62: {  	_ =	shalt  }
0x63: {  	_ =	shalt  }
0x64: {  	_ =	shalt  }
0x65: {  	_ =	shalt  }
0x66: {  	_ =	shalt  }
0x67: {  	_ =	shalt  }
0x68: {  	_ =	shalt  }
0x69: {  	_ =	shalt  }
0x6a: {  	_ =	shalt  }
0x6b: {  	_ =	shalt  }
0x6c: {  	_ =	shalt  }
0x6d: {  	_ =	shalt  }
0x6e: {  	_ =	shalt  }
0x6f: {  	_ =	shalt  }
0x70: {  	_ =	shalt  }
0x71: {  	_ =	shalt  }
0x72: {  	_ =	shalt  }
0x73: {  	_ =	shalt  }
0x74: {  	_ =	shalt  }
0x75: {  	_ =	shalt  }
0x76: {  	_ =	shalt  }
0x77: {  	_ =	shalt  }
0x78: {  	_ =	shalt  }
0x79: {  	_ =	shalt  }
0x7a: {  	_ =	shalt  }
0x7b: {  	_ =	shalt  }
0x7c: {  	_ =	shalt  }
0x7d: {  	_ =	shalt  }
0x7e: {  	_ =	shalt  }
0x7f: {  	_ =	shalt  }
0x80: {  	_ =	shalt  }
0x81: {  	_ =	shalt  }
0x82: {  	_ =	shalt  }
0x83: {  	_ =	shalt  }
0x84: {  	_ =	shalt  }
0x85: {  	_ =	shalt  }
0x86: {  	_ =	shalt  }
0x87: {  	_ =	shalt  }
.Lfunc_end0:
.L_simem_size_0:
called_computation_lowered:
.L_overlay_start_0:
0x88: {  	s0 =	sld [smem:$0x3FD9]  }
0x89: {  	s1 =	sld [smem:$0x3FFE];
	_ =	sdelay $0x3  }
0x8a: {  	s0 =	sadd.s32 s1, s0  }
0x8b: {  	[smem:$0x3FC3] =	sst s0  }
0x8c: {  	_ = 	snop  }
0x8d: {  	(tm) =	ssettm $0x1  }
0x8e: {  	s15 =	sld [smem:$0x3FFB];
	_ =	sdelay $0x3  }
0x8f: {  	_ =	strace s15  }
0x90: {  	s0 =	sld [smem:$0x3FFC];
	_ =	sdelay $0x3  }
0x91: {  	_ =	strace s0  }
0x92: {  	s0 =	sld [smem:$0x3FFD];
	_ =	sdelay $0x3  }
0x93: {  	_ =	strace s0  }
0x94: {  	_ =	strace $0x8FFFFFFF  }
0x95: {  	s16 =	sld [smem:$0x3FDB];
	_ =	sdelay $0x1  }
0x96: {  	s17 =	simm.s32 $_scs_section_size  }
0x97: {  	s2 =	simm.s32 $_size__tile_overlayer_lowered;
	s3 =	simm.s32 $_tile_overlayer_lowered  }
0x98: {  	s20 =	simm.s32 $0x1BFF;
	s19 =	sshll.u32 s3, $0x1;
	s0 =	sadd.s32 s17, s16  }
0x99: {  	s4 =	simm.s32 $0x0;
	s18 =	sshll.u32 s2, $0x1;
	s2 =	sadd.s32 s19, s0  }
0x9a: {  	[timem:s4], [sflag:s20] =	dma.local [hbm:s2], s18  }
0x9b: {  	_ =	swait.ge [sflag:s20], s18  }
0x9c: {  	s1 =	ssub.s32 $0x0, s18;
	[sflag:s20] =	ssyncset.done $0x0  }
0x9d: {  	[sflag:s20] =	ssyncadd.s32 s1;
	_ =	sdelay $0x1  }
0x9e: {  	s21 =	simm.s32 $0x1B8B  }
0x9f: {  	_ =	swait.ge [sflag:s21], $0x1  }
0xa0: {  	[sflag:s21] =	ssyncset.done $0x0  }
0xa1: {  	s23 =	simm.s32 $0x1B8E;
	s22 =	sld [smem:$0x3FFE];
	[sflag:s21] =	ssyncadd.s32 $0xFFFFFFFF  }
0xa2: {  	s24 =	simm.s32 $execute0_lowered;
	[smem:$0x3FD2] =	sst s23  }
0xa3: {  	s2 =	sshll.u32 s24, $0x1;
	_ =	strace $0x8000004C;
	[dreg:$0x1] =	wrdreg $0xFFFFFFFF  }
0xa4: {  	s25 =	simm.s32 $_size_execute0_lowered;
	s0 =	sadd.s32 s0, s2;
	[dreg:$0x0] =	wrdreg $0x0  }
0xa5: {  	s2 =	sshll.u32 s25, $0x1;
	[dreg:$0x2] =	wrdreg s0  }
0xa6: {  	[dreg:$0x3] =	wrdreg s2  }
0xa7: {  	[dreg:$0x4] =	wrdreg $0xC0  }
0xa8: {  	_ =	task [dreg:s4], $0x5FFFF  }
0xa9: {  	[dreg:$0x1] =	wrdreg $0xFFFFFFFF  }
0xaa: {  	[dreg:$0x0] =	wrdreg $0x60  }
0xab: {  	[dreg:$0x2] =	wrdreg s22  }
0xac: {  	[dreg:$0x3] =	wrdreg $0xA  }
0xad: {  	_ =	task.clear_ibuf [dreg:s4], $0x4FFFF;
	_ =	strace $0x9000004C  }
0xae: {  	s26 =	simm.s32 $0xA;
	_ =	strace $0x8000004E  }
0xaf: {  	_ =	swait.ge [sflag:s26], $0x1  }
0xb0: {  	[sflag:s26] =	ssyncadd.s32 $0xFFFFFFFF  }
0xb1: {  	_ =	strace $0x9000004E  }
0xb2: {  	_ =	sfence  }
0xb3: {  	s28 =	sld [smem:$0x0];
	_ =	sdelay $0x1  }
0xb4: {  	s29 =	srdreg.scid  }
0xb5: {  	s30 =	sshll.u32 s29, $0xD;
	s31 =	sshrl.u32 s29, $0x2  }
0xb6: {  	s1 =	sand.u32 $0x1, s29;
	s2 =	sand.u32 $0x4000, s30;
	s0 =	sadd.s32 s31, s28  }
0xb7: {  	s1 =	sor.u32 s2, s1;
	s0 =	sshll.u32 s0, $0x11  }
0xb8: {  	s0 =	sor.u32 s0, s1  }
0xb9: {  	s0 =	sadd.s32 $0x8F2B, s0  }
0xba: {  	[sflag:s0] =	ssyncadd.remote.s32 $0x1  }
0xbb: {  	_ =	sfence.sel $0xFFFF  }
0xbc: {  	[dreg:$0x0] =	wrdreg $0xFFFFFFFF;
	(pc) =	sbr.abs _section_cstart, $3  }
0xbd: {  	[dreg:$0x1] =	wrdreg $0xFFFFFFFF  }
0xbe: {  	_ =	task.clear_ibuf [dreg:s4], $0x2FFFF;
	_ =	strace $0x9FFFFFFF  }
0xbf: {  	(tm) =	ssettm $0x7FFFFFFF  }
tec
execute0_lowered:
.L_overlay_start_1:
0x0: {  	(tag) =	ssettag $0x1  }
0x1: {  	s0 =	stileid.u32  }
0x2: {  	s1 =	smin.u32 s0, $0x9  }
0x3: {  	s1 =	sadd.s32 s0, s1  }
0x4: {  	p0 =	slt.u32 s0, $0x9;
	s2 =	smul.u32 $0x50, s1;
	s1 =	simm.s32 $0xA0  }
0x5: {  	s1 =	simm.s32 @!p0 $0x50  }
0x6: {  	s1 =	sadd.s32 s1, s2  }
0x7: {  	s3 =	smin.u32 s1, $0x7D0  }
0x8: {  	s7 =	ssub.s32 s3, s2  }
0x9: {  	p0 =	sgt.s32 s7, $0x0  }
0xa: {  	s7 =	simm.s32 @!p0 $0x0  }
0xb: {  	s4 =	smul.u32 $0xCCCD, s7  }
0xc: {  	s9 =	rddreg [dreg:$0x0];
	s6 =	simm.s32 $0x1;
	s11 =	simm.s32 $0x3  }
0xd: {  	s13 =	simm.s32 $0x0;
	s12 =	simm.s32 $0x0;
	s8 =	sshrl.u32 s4, $0x16  }
0xe: {  	s1 =	rddreg [dreg:$0x1];
	_ =	strace $0x8000004D;
	s10 =	smul.u32 $0x50, s8  }
.Ltmp0:
0xf: {  	s5 =	sadd.s32 $0x9C600, s9;
	[sflag:s6] =	ssyncpa.u1 $0x0;
	(pc) =	sbr.rel .LBB2_1-.Ltmp0, $4  }
0x10: {  	s4 =	sadd.s32 $0x140A00, s9;
	p0 =	sne.s32 s7, s10;
	s10 =	simm.s32 $0x1  }
0x11: {  	s9 =	sadd.s32 $0x9C800, s9;
	s7 =	simm.s32 $0x2;
	s10 =	simm.s32 @!p0 $0x0  }
0x12: {  	[sflag:s7] =	ssyncpa.u1 $0x0;
	p0 =	por $0x0, $0x0;
	s8 =	sadd.s32 s8, s10  }
0x13: {  	vm0 =	vmmov $0xff;
	vm1 =	vcmask $0x3F20;
	[sflag:s11] =	ssyncpa.u1 $0x0;
	s11 =	smov.u32 s2;
	s10 =	sadd.s32 $0x1, s8  }
.LBB2_6:
0x14: {  	[hbm:s17] =	stream.linear.scatter [tilespmem:s14], [sflag:$0x3], $0x400, $0x38;
	[tilespmem:$0x50A0] =	vst v63  }
.LBB2_7:
0x15: {  	s13 =	sadd.s32 $0x50, s11  }
0x16: {  	s15 =	smov.u32 s2;
	p2 =	slt.s32 s13, s3  }
0x17: {  	s15 =	smov.u32 @p2 s13;
	p2 =	sne.s32 s12, s10  }
.Ltmp1:
0x18: {  	p1 =	slt.u32 s12, $0x2;
	(pc) =	sbr.rel @!p2 .LBB2_8-.Ltmp1, $4  }
0x19: {  	s14 =	simm.s32 @!p1 $0x3  }
0x1a: {  	s16 =	sadd.s32 $0x1, s12;
	_ =	swait.ge @!p1 [sflag:s14], $0x2800  }
0x1b: {  	p0 =	por !p0, !p0;
	s13 =	smov.u32 s11;
	[sflag:s14] =	ssyncset.done @!p1 $0x0  }
0x1c: {  	s12 =	smov.u32 s16;
	s11 =	smov.u32 s15;
	[sflag:s14] =	ssyncadd.s32 @!p1 $0xFFFFD800  }
.LBB2_1:
0x1d: {  	p1 =	sge.u32 s12, s8  }
0x1e: {  	s14 =	sxor.u32 @!p1 $0xFFFFFFFF, s12  }
0x1f: {  	s14 =	sand.u32 @!p1 $0x1, s14  }
0x20: {  	s14 =	smul.u32 @!p1 $0x140, s14  }
0x21: {  	s31 =	sadd.s32 $0xFFFFFFFF, s12;
	s15 =	sshrl.u32 @!p1 s11, $0x3  }
0x22: {  	s16 =	sand.u32 @!p1 $0x7, s11;
	s15 =	sadd.s32 @!p1 s5, s15;
	s14 =	sshrl.u32 @!p1 s14, $0x2  }
0x23: {  	[tilespmem:s14], [sflag:$0x2] =	stream.linear.gather @!p1 [hbm4b:s15+s16], $0x50, $0x38;
	[tilespmem:$0x50A0] =	vst v63  }
0x24: {  	p1 =	sge.u32 s31, s8  }
.Ltmp2:
0x25: {  	_ = 	snop;
	(pc) =	sbr.rel @p1 .LBB2_7-.Ltmp2, $1  }
0x26: {  	_ =	sdelay $0x3  }
0x27: {  	s14 =	simm.s32 $0x1  }
0x28: {  	s14 =	simm.s32 @!p0 $0x0  }
0x29: {  	s15 =	smul.u32 $0x140, s14  }
0x2a: {  	_ =	swait.ge [sflag:s7], $0x50  }
0x2b: {  	[sflag:s7] =	ssyncset.done $0x0;
	s16 =	sshrl.u32 s15, $0x2  }
0x2c: {  	[sflag:s7] =	ssyncadd.s32 $0xFFFFFFB0;
	s15 =	sadd.s32 $0x0, s16  }
0x2d: {  	v0 =	vld.msk [tilespmem:s15+$0x0 ss:$0x1], $0xffff;
	_ =	sdelay $0x4  }
0x2e: {  	vm2 =	vgt.s32 v0, $0x0  }
0x2f: {  	v0 =	vnsel vm2, $0x0, v0  }
0x30: {  	v0 =	vmin.u32 v0, $0x4E1F  }
0x31: {  	v0 =	vshll.u32 v0, $0x4  }
0x32: {  	s14 =	smul.u32 $0xA000, s14;
	_ =	sdelay $0x1  }
0x33: {  	s14 =	sshrl.u32 s14, $0x2  }
0x34: {  	s14 =	sor.u32 $0xA0, s14  }
0x35: {  	[tilespmem:s14], [sflag:$0x1] =	stream.indirect_vreg.gather [hbm:s4], $0x80, v0, vm0, $0x38;
	[tilespmem:$0x50A0] =	vst v63  }
0x36: {  	s17 =	sadd.s32 $0x10, s16;
	s15 =	sadd.s32 $0x400, s14  }
0x37: {  	[tilespmem:s15], [sflag:$0x1] =	stream.indirect_vreg.gather [hbm:s4], $0x80, v0, vm1, $0x38;
	[tilespmem:$0x50A0] =	vst v63  }
0x38: {  	s18 =	simm.s32 $0x80;
	v0 =	vld.msk [tilespmem:s17+$0x0 ss:$0x1], $0xffff;
	s17 =	smov.u32 s14  }
.LBB2_3:
0x39: {  	p1 =	sne.s32 s18, $0x100;
	_ =	sdelay $0x4  }
0x3a: {  	vm2 =	vgt.s32 v0, $0x0  }
0x3b: {  	v0 =	vnsel vm2, $0x0, v0  }
0x3c: {  	v0 =	vmin.u32 v0, $0x4E1F  }
0x3d: {  	v0 =	vshll.u32 v0, $0x4;
	_ =	sdelay $0x3  }
.Ltmp3:
0x3e: {  	s19 =	sshra.s32 s18, $0x2;
	s17 =	sadd.s32 $0x800, s17;
	(pc) =	sbr.rel @p1 .LBB2_3-.Ltmp3, $4  }
0x3f: {  	[tilespmem:s17], [sflag:$0x1] =	stream.indirect_vreg.gather [hbm:s4], $0x80, v0, vm0, $0x38;
	[tilespmem:$0x50A0] =	vst v63  }
0x40: {  	s19 =	sadd.s32 s19, s16;
	s20 =	sadd.s32 $0x400, s17  }
0x41: {  	[tilespmem:s20], [sflag:$0x1] =	stream.indirect_vreg.gather [hbm:s4], $0x80, v0, vm1, $0x38;
	[tilespmem:$0x50A0] =	vst v63  }
0x42: {  	s18 =	sadd.s32 $0x40, s18;
	v0 =	vld.msk [tilespmem:s19+$0x0 ss:$0x1], $0xffff  }
0x43: {  	_ =	sdelay $0x3  }
0x44: {  	vm2 =	vgt.s32 v0, $0x0  }
0x45: {  	v0 =	vnsel vm2, $0x0, v0  }
0x46: {  	v0 =	vmin.u32 v0, $0x4E1F  }
0x47: {  	v0 =	vshll.u32 v0, $0x4;
	_ =	sdelay $0x3  }
0x48: {  	s16 =	sadd.s32 $0x800, s17  }
0x49: {  	[tilespmem:s16], [sflag:$0x1] =	stream.indirect_vreg.gather [hbm:s4], $0x80, v0, vm0, $0x38;
	[tilespmem:$0x50A0] =	vst v63  }
0x4a: {  	s16 =	sadd.s32 $0x400, s16  }
0x4b: {  	[tilespmem:s16], [sflag:$0x1] =	stream.indirect_vreg.gather [hbm:s4], $0x80, v0, vm1, $0x38;
	[tilespmem:$0x50A0] =	vst v63  }
0x4c: {  	s13 =	sshll.u32 s13, $0x4;
	_ =	swait.ge [sflag:s6], $0x2800  }
0x4d: {  	s13 =	sadd.s32 s13, s9;
	[sflag:s6] =	ssyncset.done $0x0  }
0x4e: {  	s17 =	sadd.s32 $0x0, s13;
	s16 =	simm.s32 $0x80;
	[sflag:s6] =	ssyncadd.s32 $0xFFFFD800  }
.LBB2_5:
0x4f: {  	[hbm:s17] =	stream.linear.scatter [tilespmem:s14], [sflag:$0x3], $0x400, $0x38;
	[tilespmem:$0x50A0] =	vst v63  }
0x50: {  	s17 =	smov.u32 s16;
	s14 =	smov.u32 s15;
	p1 =	sne.s32 s16, $0x480  }
.Ltmp4:
0x51: {  	s16 =	sadd.s32 $0x80, s16;
	(pc) =	sbr.rel @p1 .LBB2_5-.Ltmp4, $2  }
0x52: {  	_ =	sdelay $0x2  }
0x53: {  	s15 =	sadd.s32 $0x400, s15;
	s17 =	sadd.s32 s17, s13  }
.Ltmp5:
0x54: {  	_ = 	snop;
	(pc) =	sbr.rel .LBB2_6-.Ltmp5, $1  }
0x55: {  	_ =	sdelay $0x3  }
.LBB2_8:
0x56: {  	_ =	sfence.sel $0x180000  }
0x57: {  	s2 =	simm.s32 $0x2;
	[bflag:$0x0] =	sbarrier.arrive $0xFFFF  }
0x58: {  	s30 =	simm.s32 $0x3;
	[sflag:s2] =	ssyncpa.u1 $0x1  }
0x59: {  	s31 =	simm.s32 $0x1;
	[sflag:s30] =	ssyncpa.u1 $0x1  }
0x5a: {  	[sflag:s31] =	ssyncpa.u1 $0x1  }
0x5b: {  	p0 =	sne.s32 s0, $0x0;
	_ =	strace $0x9000004D  }
0x5c: {  	s0 =	sadd.s32 @!p0 $0x100000, s1;
	[bflag:$0x2] =	sbarrier.arrive $0xFFFF  }
0x5d: {  	[sflag:s0] =	ssyncadd.tile.s32 @!p0 $0x1;
	_ =	shalt  }
.Lfunc_end2:
_tile_overlayer_lowered:
.L_overlay_start_2:
0x5e: {  	(tag) =	ssettag $0x2  }
0x5f: {  	s0 =	rddreg [dreg:$0x0];
	s2 =	stileid.u32  }
0x60: {  	s1 =	rddreg [dreg:$0x1];
	p0 =	sne.s32 s2, $0x0  }
0x61: {  	s3 =	rddreg [dreg:$0x2];
	[bflag:$0x3] =	sbarrier.arrive $0xFFFF;
	s2 =	simm.s32 @!p0 $0x1C01  }
0x62: {  	[timem:s3], [sflag:s2] =	dma.local @!p0 [hbm:s0], s1  }
0x63: {  	s0 =	simm.s32 @!p0 $0x1  }
0x64: {  	_ =	swait.ge @!p0 [sflag:s0], s1  }
0x65: {  	s1 =	ssub.s32 @!p0 $0x0, s1;
	[sflag:s0] =	ssyncset.done @!p0 $0x0  }
0x66: {  	[sflag:s0] =	ssyncadd.s32 @!p0 s1  }
0x67: {  	[bflag:$0x3] =	sbarrier.arrive $0xFFFF  }
0x68: {  	_ =	shalt  }

</sc_bundles>
